<compile_context>
chip_gen: v7x
topology: tpu7x:2x2x1
jax: 0.10.2.dev20260603
libtpu: 0.0.44.dev20260713+nightly
codegen_flags: <defaults>
</compile_context>

<pallas_src>
import functools

import jax
import jax.numpy as jnp
from jax import lax
from jax.experimental import pallas as pl
from jax.experimental.pallas import tpu as pltpu
from jax.experimental.pallas import tpu_sc as plsc

D = 64
CHUNK = 200
SPLIT = 128
NBUF = 2
SCALE = 8.0


def _scale_chunk(src, dst):
    @plsc.parallel_loop(0, CHUNK, step=1, unroll=8)
    def _(i):
        for k in range(D // 16):
            sl = pl.ds(k * 16, 16)
            dst[i, sl] = src[i, sl] * SCALE


def _make_emb_call(bsz, seq):
    assert seq == CHUNK
    info = plsc.get_sparse_core_info()
    nw = info.num_cores * info.num_subcores
    assert bsz % nw == 0
    steps = bsz // nw
    groups = steps // NBUF
    assert groups >= 3 and steps % NBUF == 0

    mesh = plsc.VectorSubcoreMesh(core_axis_name="c", subcore_axis_name="s")

    @functools.partial(
        pl.kernel,
        out_type=jax.ShapeDtypeStruct((bsz, seq, D), jnp.float32),
        mesh=mesh,
        compiler_params=pltpu.CompilerParams(use_tc_tiling_on_sc=False),
        scratch_types=[
            pltpu.VMEM((steps, CHUNK), jnp.int32),
            [pltpu.VMEM((CHUNK, D), jnp.float32) for _ in range(NBUF)],
            [pltpu.VMEM((CHUNK, D), jnp.float32) for _ in range(NBUF)],
            [pltpu.SemaphoreType.DMA for _ in range(NBUF)],
            [pltpu.SemaphoreType.DMA for _ in range(NBUF)],
        ],
    )
    def emb(idx_hbm, table_hbm, out_hbm, idx_v, gbufs, sbufs, gsems, ssems):
        wid = lax.axis_index("s") * info.num_cores + lax.axis_index("c")
        b0 = wid * steps

        pltpu.sync_copy(idx_hbm.at[pl.ds(b0, steps)], idx_v)

        def gather_copies(b, s):
            return (
                pltpu.make_async_copy(
                    table_hbm.at[idx_v.at[s, pl.ds(0, SPLIT)]],
                    gbufs[b].at[pl.ds(0, SPLIT)],
                    gsems[b],
                ),
                pltpu.make_async_copy(
                    table_hbm.at[idx_v.at[s, pl.ds(SPLIT, CHUNK - SPLIT)]],
                    gbufs[b].at[pl.ds(SPLIT, CHUNK - SPLIT)],
                    gsems[b],
                ),
            )

        def start_gather(b, s):
            for c in gather_copies(b, s):
                c.start()

        def wait_gather(b, s):
            for c in gather_copies(b, s):
                c.wait()

        def store_copy(b, s):
            return pltpu.make_async_copy(sbufs[b], out_hbm.at[b0 + s], ssems[b])

        for b in range(NBUF):
            start_gather(b, b)

        for b in range(NBUF):
            wait_gather(b, b)
            _scale_chunk(gbufs[b], sbufs[b])
            store_copy(b, b).start()
            start_gather(b, NBUF + b)

        def group(g, _):
            for b in range(NBUF):
                s = g * NBUF + b
                wait_gather(b, s)
                store_copy(b, s - NBUF).wait()
                _scale_chunk(gbufs[b], sbufs[b])
                store_copy(b, s).start()
                start_gather(b, s + NBUF)
            return 0

        lax.fori_loop(1, groups - 1, group, 0)

        for b in range(NBUF):
            s = (groups - 1) * NBUF + b
            wait_gather(b, s)
            store_copy(b, s - NBUF).wait()
            _scale_chunk(gbufs[b], sbufs[b])
            store_copy(b, s).start()
        for b in range(NBUF):
            store_copy(b, (groups - 1) * NBUF + b).wait()

    return emb


def kernel(inp_tokens, emb_table):
    bsz, seq = inp_tokens.shape
    return _make_emb_call(bsz, seq)(inp_tokens, emb_table)

# --- scband reference (transcript-rebuilt; emitter-appended) ---
"""Pipeline reference for scband-token-embedding-5669356832747 (READ-ONLY COPY).

The authoritative reference and input builder live on the scoring server;
editing this copy changes nothing except your own understanding.
"""

import jax, jax.numpy as jnp
import numpy as np

N_TOKEN = 1000000
D_EMBED = 64
D_PROJ = 64
EMB_SCALE = D_PROJ ** 0.5


def setup_inputs(seed: int = 0) -> dict:
    key = jax.random.key(seed)
    k1, k2 = jax.random.split(key)
    inp_tokens = jax.random.randint(k1, (4096, 200), 0, N_TOKEN, dtype=jnp.int64 if jax.config.jax_enable_x64 else jnp.int32).astype(jnp.int32)
    emb_table = jax.random.normal(k2, (N_TOKEN, D_EMBED), dtype=jnp.float32) * 0.02
    return {"inp_tokens": inp_tokens, "emb_table": emb_table}


def reference(inp_tokens, emb_table):
    # nn.Embedding lookup -> gather rows of the table
    inp_emb = jnp.take(emb_table, inp_tokens, axis=0)
    # d_proj == d_embed so emb_proj is None; just scale by sqrt(d_proj)
    return inp_emb * EMB_SCALE

if __name__ == "__main__":
    import jax
    _d = setup_inputs()
    print(jax.jit(kernel)(*tuple(_d.values())))

</pallas_src>

<mosaic_0001>
#map = affine_map<(d0, d1) -> (0, 0)>
#map1 = affine_map<(d0, d1) -> (0, 0, 0)>
module attributes {stable_mosaic.version = 14 : i64} {
  func.func @emb(%arg0: i32, %arg1: i32, %arg2: memref<4096x200xi32, #tpu.memory_space<hbm>>, %arg3: memref<1000000x64xf32, #tpu.memory_space<hbm>>, %arg4: memref<4096x200x64xf32, #tpu.memory_space<hbm>>, %arg5: memref<128x200xi32, #tpu.memory_space<vmem>>, %arg6: memref<200x64xf32, #tpu.memory_space<vmem>>, %arg7: memref<200x64xf32, #tpu.memory_space<vmem>>, %arg8: memref<200x64xf32, #tpu.memory_space<vmem>>, %arg9: memref<200x64xf32, #tpu.memory_space<vmem>>, %arg10: memref<!tpu.dma_semaphore, #tpu.memory_space<semaphore_mem>>, %arg11: memref<!tpu.dma_semaphore, #tpu.memory_space<semaphore_mem>>, %arg12: memref<!tpu.dma_semaphore, #tpu.memory_space<semaphore_mem>>, %arg13: memref<!tpu.dma_semaphore, #tpu.memory_space<semaphore_mem>>) attributes {dimension_semantics = [#tpu.dimension_semantics<core_parallel>, #tpu.dimension_semantics<subcore_parallel>], iteration_bounds = array<i64: 2, 16>, scalar_prefetch = 0 : i64, scratch_operands = 9 : i64, tpu.core_type = #tpu.core_type<sc_vector_subcore>, window_params = [{transform_indices = #map}, {transform_indices = #map}, {transform_indices = #map1}]} {
    %mul3A = arith.constant 2 : i32
    %mul3A_0 = arith.muli %arg1, %mul3A : i32
    %add3A = arith.addi %mul3A_0, %arg0 : i32
    %mul3A_1 = arith.constant 128 : i32
    %mul3A_2 = arith.muli %add3A, %mul3A_1 : i32
    "tpu.region"() ({
      %run_scoped3A = tpu.sem_alloc : memref<!tpu.dma_semaphore, #tpu.memory_space<semaphore_mem>>
      %dma_start3A_258 = arith.constant 0 : i32
      %dma_start3A_259 = tpu.memref_slice %arg2[%mul3A_2, %dma_start3A_258] : memref<4096x200xi32, #tpu.memory_space<hbm>> -> memref<128x200xi32, #tpu.memory_space<hbm>>
      %dma_start3A_260 = arith.constant 0 : i32
      %dma_start3A_261 = tpu.memref_slice %arg2[%mul3A_2, %dma_start3A_260] : memref<4096x200xi32, #tpu.memory_space<hbm>> -> memref<128x200xi32, #tpu.memory_space<hbm>>
      tpu.enqueue_dma source(%dma_start3A_261 : memref<128x200xi32, #tpu.memory_space<hbm>>) target(%arg5 : memref<128x200xi32, #tpu.memory_space<vmem>>) target_semaphore(%run_scoped3A : memref<!tpu.dma_semaphore, #tpu.memory_space<semaphore_mem>>)
      %dma_wait3A_262 = arith.constant 0 : i32
      %dma_wait3A_263 = tpu.memref_slice %arg2[%mul3A_2, %dma_wait3A_262] : memref<4096x200xi32, #tpu.memory_space<hbm>> -> memref<128x200xi32, #tpu.memory_space<hbm>>
      %dma_wait3A_264 = arith.constant 0 : i32
      %dma_wait3A_265 = tpu.memref_slice %arg2[%mul3A_2, %dma_wait3A_264] : memref<4096x200xi32, #tpu.memory_space<hbm>> -> memref<128x200xi32, #tpu.memory_space<hbm>>
      tpu.wait_dma2 semaphore(%run_scoped3A : memref<!tpu.dma_semaphore, #tpu.memory_space<semaphore_mem>>) src(%dma_wait3A_265 : memref<128x200xi32, #tpu.memory_space<hbm>>) dst(%arg5 : memref<128x200xi32, #tpu.memory_space<vmem>>)
      tpu.yield
    }) : () -> ()
    %dma_start3A = arith.constant 0 : i32
    %dma_start3A_3 = arith.constant 0 : i32
    %dma_start3A_4 = arith.constant 0 : i32
    %dma_start3A_5 = tpu.memref_slice %arg6[%dma_start3A_3, %dma_start3A_4] : memref<200x64xf32, #tpu.memory_space<vmem>> -> memref<128x64xf32, #tpu.memory_space<vmem>>
    %dma_start3A_6 = arith.constant 0 : i32
    %dma_start3A_7 = tpu.memref_slice %arg5[%dma_start3A, %dma_start3A_6] : memref<128x200xi32, #tpu.memory_space<vmem>> -> memref<1x128xi32, #tpu.memory_space<vmem>>
    %dma_start3A_8 = tpu.memref_squeeze %dma_start3A_7 : memref<1x128xi32, #tpu.memory_space<vmem>> -> memref<128xi32, #tpu.memory_space<vmem>>
    %dma_start3A_9 = arith.constant 0 : i32
    %dma_start3A_10 = arith.constant 0 : i32
    %dma_start3A_11 = tpu.memref_slice %arg3[%dma_start3A_9, %dma_start3A_10] : memref<1000000x64xf32, #tpu.memory_space<hbm>> -> memref<1000000x64xf32, #tpu.memory_space<hbm>>
    tpu.enqueue_indirect_dma source(%dma_start3A_11 : memref<1000000x64xf32, #tpu.memory_space<hbm>>) target(%dma_start3A_5 : memref<128x64xf32, #tpu.memory_space<vmem>>) offsets(%dma_start3A_8 : memref<128xi32, #tpu.memory_space<vmem>>) semaphore(%arg10 : memref<!tpu.dma_semaphore, #tpu.memory_space<semaphore_mem>>)
    %dma_start3A_12 = arith.constant 0 : i32
    %dma_start3A_13 = arith.constant 128 : i32
    %dma_start3A_14 = arith.constant 0 : i32
    %dma_start3A_15 = tpu.memref_slice %arg6[%dma_start3A_13, %dma_start3A_14] : memref<200x64xf32, #tpu.memory_space<vmem>> -> memref<72x64xf32, #tpu.memory_space<vmem>>
    %dma_start3A_16 = arith.constant 128 : i32
    %dma_start3A_17 = tpu.memref_slice %arg5[%dma_start3A_12, %dma_start3A_16] : memref<128x200xi32, #tpu.memory_space<vmem>> -> memref<1x72xi32, #tpu.memory_space<vmem>>
    %dma_start3A_18 = tpu.memref_squeeze %dma_start3A_17 : memref<1x72xi32, #tpu.memory_space<vmem>> -> memref<72xi32, #tpu.memory_space<vmem>>
    %dma_start3A_19 = arith.constant 0 : i32
    %dma_start3A_20 = arith.constant 0 : i32
    %dma_start3A_21 = tpu.memref_slice %arg3[%dma_start3A_19, %dma_start3A_20] : memref<1000000x64xf32, #tpu.memory_space<hbm>> -> memref<1000000x64xf32, #tpu.memory_space<hbm>>
    tpu.enqueue_indirect_dma source(%dma_start3A_21 : memref<1000000x64xf32, #tpu.memory_space<hbm>>) target(%dma_start3A_15 : memref<72x64xf32, #tpu.memory_space<vmem>>) offsets(%dma_start3A_18 : memref<72xi32, #tpu.memory_space<vmem>>) semaphore(%arg10 : memref<!tpu.dma_semaphore, #tpu.memory_space<semaphore_mem>>)
    %dma_start3A_22 = arith.constant 1 : i32
    %dma_start3A_23 = arith.constant 0 : i32
    %dma_start3A_24 = arith.constant 0 : i32
    %dma_start3A_25 = tpu.memref_slice %arg7[%dma_start3A_23, %dma_start3A_24] : memref<200x64xf32, #tpu.memory_space<vmem>> -> memref<128x64xf32, #tpu.memory_space<vmem>>
    %dma_start3A_26 = arith.constant 0 : i32
    %dma_start3A_27 = tpu.memref_slice %arg5[%dma_start3A_22, %dma_start3A_26] : memref<128x200xi32, #tpu.memory_space<vmem>> -> memref<1x128xi32, #tpu.memory_space<vmem>>
    %dma_start3A_28 = tpu.memref_squeeze %dma_start3A_27 : memref<1x128xi32, #tpu.memory_space<vmem>> -> memref<128xi32, #tpu.memory_space<vmem>>
    %dma_start3A_29 = arith.constant 0 : i32
    %dma_start3A_30 = arith.constant 0 : i32
    %dma_start3A_31 = tpu.memref_slice %arg3[%dma_start3A_29, %dma_start3A_30] : memref<1000000x64xf32, #tpu.memory_space<hbm>> -> memref<1000000x64xf32, #tpu.memory_space<hbm>>
    tpu.enqueue_indirect_dma source(%dma_start3A_31 : memref<1000000x64xf32, #tpu.memory_space<hbm>>) target(%dma_start3A_25 : memref<128x64xf32, #tpu.memory_space<vmem>>) offsets(%dma_start3A_28 : memref<128xi32, #tpu.memory_space<vmem>>) semaphore(%arg11 : memref<!tpu.dma_semaphore, #tpu.memory_space<semaphore_mem>>)
    %dma_start3A_32 = arith.constant 1 : i32
    %dma_start3A_33 = arith.constant 128 : i32
    %dma_start3A_34 = arith.constant 0 : i32
    %dma_start3A_35 = tpu.memref_slice %arg7[%dma_start3A_33, %dma_start3A_34] : memref<200x64xf32, #tpu.memory_space<vmem>> -> memref<72x64xf32, #tpu.memory_space<vmem>>
    %dma_start3A_36 = arith.constant 128 : i32
    %dma_start3A_37 = tpu.memref_slice %arg5[%dma_start3A_32, %dma_start3A_36] : memref<128x200xi32, #tpu.memory_space<vmem>> -> memref<1x72xi32, #tpu.memory_space<vmem>>
    %dma_start3A_38 = tpu.memref_squeeze %dma_start3A_37 : memref<1x72xi32, #tpu.memory_space<vmem>> -> memref<72xi32, #tpu.memory_space<vmem>>
    %dma_start3A_39 = arith.constant 0 : i32
    %dma_start3A_40 = arith.constant 0 : i32
    %dma_start3A_41 = tpu.memref_slice %arg3[%dma_start3A_39, %dma_start3A_40] : memref<1000000x64xf32, #tpu.memory_space<hbm>> -> memref<1000000x64xf32, #tpu.memory_space<hbm>>
    tpu.enqueue_indirect_dma source(%dma_start3A_41 : memref<1000000x64xf32, #tpu.memory_space<hbm>>) target(%dma_start3A_35 : memref<72x64xf32, #tpu.memory_space<vmem>>) offsets(%dma_start3A_38 : memref<72xi32, #tpu.memory_space<vmem>>) semaphore(%arg11 : memref<!tpu.dma_semaphore, #tpu.memory_space<semaphore_mem>>)
    %dma_wait3A = arith.constant 0 : i32
    %dma_wait3A_42 = arith.constant 0 : i32
    %dma_wait3A_43 = arith.constant 0 : i32
    %dma_wait3A_44 = tpu.memref_slice %arg6[%dma_wait3A_42, %dma_wait3A_43] : memref<200x64xf32, #tpu.memory_space<vmem>> -> memref<128x64xf32, #tpu.memory_space<vmem>>
    %dma_wait3A_45 = arith.constant 0 : i32
    %dma_wait3A_46 = tpu.memref_slice %arg5[%dma_wait3A, %dma_wait3A_45] : memref<128x200xi32, #tpu.memory_space<vmem>> -> memref<1x128xi32, #tpu.memory_space<vmem>>
    %dma_wait3A_47 = tpu.memref_squeeze %dma_wait3A_46 : memref<1x128xi32, #tpu.memory_space<vmem>> -> memref<128xi32, #tpu.memory_space<vmem>>
    %dma_wait3A_48 = arith.constant 0 : i32
    %dma_wait3A_49 = arith.constant 0 : i32
    %dma_wait3A_50 = tpu.memref_slice %arg3[%dma_wait3A_48, %dma_wait3A_49] : memref<1000000x64xf32, #tpu.memory_space<hbm>> -> memref<1000000x64xf32, #tpu.memory_space<hbm>>
    tpu.wait_indirect_dma semaphore(%arg10 : memref<!tpu.dma_semaphore, #tpu.memory_space<semaphore_mem>>) src(%dma_wait3A_50 : memref<1000000x64xf32, #tpu.memory_space<hbm>>) dst(%dma_wait3A_44 : memref<128x64xf32, #tpu.memory_space<vmem>>)
    %dma_wait3A_51 = arith.constant 0 : i32
    %dma_wait3A_52 = arith.constant 128 : i32
    %dma_wait3A_53 = arith.constant 0 : i32
    %dma_wait3A_54 = tpu.memref_slice %arg6[%dma_wait3A_52, %dma_wait3A_53] : memref<200x64xf32, #tpu.memory_space<vmem>> -> memref<72x64xf32, #tpu.memory_space<vmem>>
    %dma_wait3A_55 = arith.constant 128 : i32
    %dma_wait3A_56 = tpu.memref_slice %arg5[%dma_wait3A_51, %dma_wait3A_55] : memref<128x200xi32, #tpu.memory_space<vmem>> -> memref<1x72xi32, #tpu.memory_space<vmem>>
    %dma_wait3A_57 = tpu.memref_squeeze %dma_wait3A_56 : memref<1x72xi32, #tpu.memory_space<vmem>> -> memref<72xi32, #tpu.memory_space<vmem>>
    %dma_wait3A_58 = arith.constant 0 : i32
    %dma_wait3A_59 = arith.constant 0 : i32
    %dma_wait3A_60 = tpu.memref_slice %arg3[%dma_wait3A_58, %dma_wait3A_59] : memref<1000000x64xf32, #tpu.memory_space<hbm>> -> memref<1000000x64xf32, #tpu.memory_space<hbm>>
    tpu.wait_indirect_dma semaphore(%arg10 : memref<!tpu.dma_semaphore, #tpu.memory_space<semaphore_mem>>) src(%dma_wait3A_60 : memref<1000000x64xf32, #tpu.memory_space<hbm>>) dst(%dma_wait3A_54 : memref<72x64xf32, #tpu.memory_space<vmem>>)
    %parallel_loop3A = arith.constant 0 : i32
    %parallel_loop3A_61 = arith.constant 200 : i32
    %parallel_loop3A_62 = arith.constant 1 : i32
    scf.for %parallel_loop3A_258 = %parallel_loop3A to %parallel_loop3A_61 step %parallel_loop3A_62  : i32 {
      %parallel_loop3A_259 = arith.index_cast %parallel_loop3A_258 : i32 to index
      %parallel_loop3A_260 = arith.constant 0 : index
      %parallel_loop3A_261 = tpu.vector_load %arg6[%parallel_loop3A_259, %parallel_loop3A_260] {strides = array<i32>} : memref<200x64xf32, #tpu.memory_space<vmem>>, vector<1x16xf32>,
      %parallel_loop3A_262 = vector.shape_cast %parallel_loop3A_261 : vector<1x16xf32> to vector<16xf32>
      %parallel_loop3A_263 = arith.constant 8.000000e+00 : f32
      %parallel_loop3A_264 = vector.broadcast %parallel_loop3A_263 : f32 to vector<16xf32>
      %parallel_loop3A_265 = arith.mulf %parallel_loop3A_262, %parallel_loop3A_264 : vector<16xf32>
      %parallel_loop3A_266 = arith.index_cast %parallel_loop3A_258 : i32 to index
      %parallel_loop3A_267 = arith.constant 0 : index
      %parallel_loop3A_268 = tpu.vector_load %arg8[%parallel_loop3A_266, %parallel_loop3A_267] {strides = array<i32>} : memref<200x64xf32, #tpu.memory_space<vmem>>, vector<1x16xf32>,
      %parallel_loop3A_269 = vector.shape_cast %parallel_loop3A_268 : vector<1x16xf32> to vector<16xf32>
      %parallel_loop3A_270 = vector.shape_cast %parallel_loop3A_265 : vector<16xf32> to vector<1x16xf32>
      tpu.vector_store %arg8[%parallel_loop3A_266, %parallel_loop3A_267], %parallel_loop3A_270 {strides = array<i32>} : memref<200x64xf32, #tpu.memory_space<vmem>>, vector<1x16xf32>,
      %parallel_loop3A_271 = arith.index_cast %parallel_loop3A_258 : i32 to index
      %parallel_loop3A_272 = arith.constant 16 : index
      %parallel_loop3A_273 = tpu.vector_load %arg6[%parallel_loop3A_271, %parallel_loop3A_272] {strides = array<i32>} : memref<200x64xf32, #tpu.memory_space<vmem>>, vector<1x16xf32>,
      %parallel_loop3A_274 = vector.shape_cast %parallel_loop3A_273 : vector<1x16xf32> to vector<16xf32>
      %parallel_loop3A_275 = arith.constant 8.000000e+00 : f32
      %parallel_loop3A_276 = vector.broadcast %parallel_loop3A_275 : f32 to vector<16xf32>
      %parallel_loop3A_277 = arith.mulf %parallel_loop3A_274, %parallel_loop3A_276 : vector<16xf32>
      %parallel_loop3A_278 = arith.index_cast %parallel_loop3A_258 : i32 to index
      %parallel_loop3A_279 = arith.constant 16 : index
      %parallel_loop3A_280 = tpu.vector_load %arg8[%parallel_loop3A_278, %parallel_loop3A_279] {strides = array<i32>} : memref<200x64xf32, #tpu.memory_space<vmem>>, vector<1x16xf32>,
      %parallel_loop3A_281 = vector.shape_cast %parallel_loop3A_280 : vector<1x16xf32> to vector<16xf32>
      %parallel_loop3A_282 = vector.shape_cast %parallel_loop3A_277 : vector<16xf32> to vector<1x16xf32>
      tpu.vector_store %arg8[%parallel_loop3A_278, %parallel_loop3A_279], %parallel_loop3A_282 {strides = array<i32>} : memref<200x64xf32, #tpu.memory_space<vmem>>, vector<1x16xf32>,
      %parallel_loop3A_283 = arith.index_cast %parallel_loop3A_258 : i32 to index
      %parallel_loop3A_284 = arith.constant 32 : index
      %parallel_loop3A_285 = tpu.vector_load %arg6[%parallel_loop3A_283, %parallel_loop3A_284] {strides = array<i32>} : memref<200x64xf32, #tpu.memory_space<vmem>>, vector<1x16xf32>,
      %parallel_loop3A_286 = vector.shape_cast %parallel_loop3A_285 : vector<1x16xf32> to vector<16xf32>
      %parallel_loop3A_287 = arith.constant 8.000000e+00 : f32
      %parallel_loop3A_288 = vector.broadcast %parallel_loop3A_287 : f32 to vector<16xf32>
      %parallel_loop3A_289 = arith.mulf %parallel_loop3A_286, %parallel_loop3A_288 : vector<16xf32>
      %parallel_loop3A_290 = arith.index_cast %parallel_loop3A_258 : i32 to index
      %parallel_loop3A_291 = arith.constant 32 : index
      %parallel_loop3A_292 = tpu.vector_load %arg8[%parallel_loop3A_290, %parallel_loop3A_291] {strides = array<i32>} : memref<200x64xf32, #tpu.memory_space<vmem>>, vector<1x16xf32>,
      %parallel_loop3A_293 = vector.shape_cast %parallel_loop3A_292 : vector<1x16xf32> to vector<16xf32>
      %parallel_loop3A_294 = vector.shape_cast %parallel_loop3A_289 : vector<16xf32> to vector<1x16xf32>
      tpu.vector_store %arg8[%parallel_loop3A_290, %parallel_loop3A_291], %parallel_loop3A_294 {strides = array<i32>} : memref<200x64xf32, #tpu.memory_space<vmem>>, vector<1x16xf32>,
      %parallel_loop3A_295 = arith.index_cast %parallel_loop3A_258 : i32 to index
      %parallel_loop3A_296 = arith.constant 48 : index
      %parallel_loop3A_297 = tpu.vector_load %arg6[%parallel_loop3A_295, %parallel_loop3A_296] {strides = array<i32>} : memref<200x64xf32, #tpu.memory_space<vmem>>, vector<1x16xf32>,
      %parallel_loop3A_298 = vector.shape_cast %parallel_loop3A_297 : vector<1x16xf32> to vector<16xf32>
      %parallel_loop3A_299 = arith.constant 8.000000e+00 : f32
      %parallel_loop3A_300 = vector.broadcast %parallel_loop3A_299 : f32 to vector<16xf32>
      %parallel_loop3A_301 = arith.mulf %parallel_loop3A_298, %parallel_loop3A_300 : vector<16xf32>
      %parallel_loop3A_302 = arith.index_cast %parallel_loop3A_258 : i32 to index
      %parallel_loop3A_303 = arith.constant 48 : index
      %parallel_loop3A_304 = tpu.vector_load %arg8[%parallel_loop3A_302, %parallel_loop3A_303] {strides = array<i32>} : memref<200x64xf32, #tpu.memory_space<vmem>>, vector<1x16xf32>,
      %parallel_loop3A_305 = vector.shape_cast %parallel_loop3A_304 : vector<1x16xf32> to vector<16xf32>
      %parallel_loop3A_306 = vector.shape_cast %parallel_loop3A_301 : vector<16xf32> to vector<1x16xf32>
      tpu.vector_store %arg8[%parallel_loop3A_302, %parallel_loop3A_303], %parallel_loop3A_306 {strides = array<i32>} : memref<200x64xf32, #tpu.memory_space<vmem>>, vector<1x16xf32>,
    } {sc.loop_unroll_factor = 8 : i64, sc.parallel_access}
    %add3A_63 = arith.constant 0 : i32
    %add3A_64 = arith.addi %mul3A_2, %add3A_63 : i32
    %dma_start3A_65 = arith.constant 0 : i32
    %dma_start3A_66 = arith.constant 0 : i32
    %dma_start3A_67 = tpu.memref_slice %arg4[%add3A_64, %dma_start3A_65, %dma_start3A_66] : memref<4096x200x64xf32, #tpu.memory_space<hbm>> -> memref<1x200x64xf32, #tpu.memory_space<hbm>>
    %dma_start3A_68 = tpu.memref_squeeze %dma_start3A_67 : memref<1x200x64xf32, #tpu.memory_space<hbm>> -> memref<200x64xf32, #tpu.memory_space<hbm>>
    %dma_start3A_69 = arith.constant 0 : i32
    %dma_start3A_70 = arith.constant 0 : i32
    %dma_start3A_71 = tpu.memref_slice %arg4[%add3A_64, %dma_start3A_69, %dma_start3A_70] : memref<4096x200x64xf32, #tpu.memory_space<hbm>> -> memref<1x200x64xf32, #tpu.memory_space<hbm>>
    %dma_start3A_72 = tpu.memref_squeeze %dma_start3A_71 : memref<1x200x64xf32, #tpu.memory_space<hbm>> -> memref<200x64xf32, #tpu.memory_space<hbm>>
    tpu.enqueue_dma source(%arg8 : memref<200x64xf32, #tpu.memory_space<vmem>>) target(%dma_start3A_72 : memref<200x64xf32, #tpu.memory_space<hbm>>) target_semaphore(%arg12 : memref<!tpu.dma_semaphore, #tpu.memory_space<semaphore_mem>>)
    %dma_start3A_73 = arith.constant 2 : i32
    %dma_start3A_74 = arith.constant 0 : i32
    %dma_start3A_75 = arith.constant 0 : i32
    %dma_start3A_76 = tpu.memref_slice %arg6[%dma_start3A_74, %dma_start3A_75] : memref<200x64xf32, #tpu.memory_space<vmem>> -> memref<128x64xf32, #tpu.memory_space<vmem>>
    %dma_start3A_77 = arith.constant 0 : i32
    %dma_start3A_78 = tpu.memref_slice %arg5[%dma_start3A_73, %dma_start3A_77] : memref<128x200xi32, #tpu.memory_space<vmem>> -> memref<1x128xi32, #tpu.memory_space<vmem>>
    %dma_start3A_79 = tpu.memref_squeeze %dma_start3A_78 : memref<1x128xi32, #tpu.memory_space<vmem>> -> memref<128xi32, #tpu.memory_space<vmem>>
    %dma_start3A_80 = arith.constant 0 : i32
    %dma_start3A_81 = arith.constant 0 : i32
    %dma_start3A_82 = tpu.memref_slice %arg3[%dma_start3A_80, %dma_start3A_81] : memref<1000000x64xf32, #tpu.memory_space<hbm>> -> memref<1000000x64xf32, #tpu.memory_space<hbm>>
    tpu.enqueue_indirect_dma source(%dma_start3A_82 : memref<1000000x64xf32, #tpu.memory_space<hbm>>) target(%dma_start3A_76 : memref<128x64xf32, #tpu.memory_space<vmem>>) offsets(%dma_start3A_79 : memref<128xi32, #tpu.memory_space<vmem>>) semaphore(%arg10 : memref<!tpu.dma_semaphore, #tpu.memory_space<semaphore_mem>>)
    %dma_start3A_83 = arith.constant 2 : i32
    %dma_start3A_84 = arith.constant 128 : i32
    %dma_start3A_85 = arith.constant 0 : i32
    %dma_start3A_86 = tpu.memref_slice %arg6[%dma_start3A_84, %dma_start3A_85] : memref<200x64xf32, #tpu.memory_space<vmem>> -> memref<72x64xf32, #tpu.memory_space<vmem>>
    %dma_start3A_87 = arith.constant 128 : i32
    %dma_start3A_88 = tpu.memref_slice %arg5[%dma_start3A_83, %dma_start3A_87] : memref<128x200xi32, #tpu.memory_space<vmem>> -> memref<1x72xi32, #tpu.memory_space<vmem>>
    %dma_start3A_89 = tpu.memref_squeeze %dma_start3A_88 : memref<1x72xi32, #tpu.memory_space<vmem>> -> memref<72xi32, #tpu.memory_space<vmem>>
    %dma_start3A_90 = arith.constant 0 : i32
    %dma_start3A_91 = arith.constant 0 : i32
    %dma_start3A_92 = tpu.memref_slice %arg3[%dma_start3A_90, %dma_start3A_91] : memref<1000000x64xf32, #tpu.memory_space<hbm>> -> memref<1000000x64xf32, #tpu.memory_space<hbm>>
    tpu.enqueue_indirect_dma source(%dma_start3A_92 : memref<1000000x64xf32, #tpu.memory_space<hbm>>) target(%dma_start3A_86 : memref<72x64xf32, #tpu.memory_space<vmem>>) offsets(%dma_start3A_89 : memref<72xi32, #tpu.memory_space<vmem>>) semaphore(%arg10 : memref<!tpu.dma_semaphore, #tpu.memory_space<semaphore_mem>>)
    %dma_wait3A_93 = arith.constant 1 : i32
    %dma_wait3A_94 = arith.constant 0 : i32
    %dma_wait3A_95 = arith.constant 0 : i32
    %dma_wait3A_96 = tpu.memref_slice %arg7[%dma_wait3A_94, %dma_wait3A_95] : memref<200x64xf32, #tpu.memory_space<vmem>> -> memref<128x64xf32, #tpu.memory_space<vmem>>
    %dma_wait3A_97 = arith.constant 0 : i32
    %dma_wait3A_98 = tpu.memref_slice %arg5[%dma_wait3A_93, %dma_wait3A_97] : memref<128x200xi32, #tpu.memory_space<vmem>> -> memref<1x128xi32, #tpu.memory_space<vmem>>
    %dma_wait3A_99 = tpu.memref_squeeze %dma_wait3A_98 : memref<1x128xi32, #tpu.memory_space<vmem>> -> memref<128xi32, #tpu.memory_space<vmem>>
    %dma_wait3A_100 = arith.constant 0 : i32
    %dma_wait3A_101 = arith.constant 0 : i32
    %dma_wait3A_102 = tpu.memref_slice %arg3[%dma_wait3A_100, %dma_wait3A_101] : memref<1000000x64xf32, #tpu.memory_space<hbm>> -> memref<1000000x64xf32, #tpu.memory_space<hbm>>
    tpu.wait_indirect_dma semaphore(%arg11 : memref<!tpu.dma_semaphore, #tpu.memory_space<semaphore_mem>>) src(%dma_wait3A_102 : memref<1000000x64xf32, #tpu.memory_space<hbm>>) dst(%dma_wait3A_96 : memref<128x64xf32, #tpu.memory_space<vmem>>)
    %dma_wait3A_103 = arith.constant 1 : i32
    %dma_wait3A_104 = arith.constant 128 : i32
    %dma_wait3A_105 = arith.constant 0 : i32
    %dma_wait3A_106 = tpu.memref_slice %arg7[%dma_wait3A_104, %dma_wait3A_105] : memref<200x64xf32, #tpu.memory_space<vmem>> -> memref<72x64xf32, #tpu.memory_space<vmem>>
    %dma_wait3A_107 = arith.constant 128 : i32
    %dma_wait3A_108 = tpu.memref_slice %arg5[%dma_wait3A_103, %dma_wait3A_107] : memref<128x200xi32, #tpu.memory_space<vmem>> -> memref<1x72xi32, #tpu.memory_space<vmem>>
    %dma_wait3A_109 = tpu.memref_squeeze %dma_wait3A_108 : memref<1x72xi32, #tpu.memory_space<vmem>> -> memref<72xi32, #tpu.memory_space<vmem>>
    %dma_wait3A_110 = arith.constant 0 : i32
    %dma_wait3A_111 = arith.constant 0 : i32
    %dma_wait3A_112 = tpu.memref_slice %arg3[%dma_wait3A_110, %dma_wait3A_111] : memref<1000000x64xf32, #tpu.memory_space<hbm>> -> memref<1000000x64xf32, #tpu.memory_space<hbm>>
    tpu.wait_indirect_dma semaphore(%arg11 : memref<!tpu.dma_semaphore, #tpu.memory_space<semaphore_mem>>) src(%dma_wait3A_112 : memref<1000000x64xf32, #tpu.memory_space<hbm>>) dst(%dma_wait3A_106 : memref<72x64xf32, #tpu.memory_space<vmem>>)
    %parallel_loop3A_113 = arith.constant 0 : i32
    %parallel_loop3A_114 = arith.constant 200 : i32
    %parallel_loop3A_115 = arith.constant 1 : i32
    scf.for %parallel_loop3A_258 = %parallel_loop3A_113 to %parallel_loop3A_114 step %parallel_loop3A_115  : i32 {
      %parallel_loop3A_259 = arith.index_cast %parallel_loop3A_258 : i32 to index
      %parallel_loop3A_260 = arith.constant 0 : index
      %parallel_loop3A_261 = tpu.vector_load %arg7[%parallel_loop3A_259, %parallel_loop3A_260] {strides = array<i32>} : memref<200x64xf32, #tpu.memory_space<vmem>>, vector<1x16xf32>,
      %parallel_loop3A_262 = vector.shape_cast %parallel_loop3A_261 : vector<1x16xf32> to vector<16xf32>
      %parallel_loop3A_263 = arith.constant 8.000000e+00 : f32
      %parallel_loop3A_264 = vector.broadcast %parallel_loop3A_263 : f32 to vector<16xf32>
      %parallel_loop3A_265 = arith.mulf %parallel_loop3A_262, %parallel_loop3A_264 : vector<16xf32>
      %parallel_loop3A_266 = arith.index_cast %parallel_loop3A_258 : i32 to index
      %parallel_loop3A_267 = arith.constant 0 : index
      %parallel_loop3A_268 = tpu.vector_load %arg9[%parallel_loop3A_266, %parallel_loop3A_267] {strides = array<i32>} : memref<200x64xf32, #tpu.memory_space<vmem>>, vector<1x16xf32>,
      %parallel_loop3A_269 = vector.shape_cast %parallel_loop3A_268 : vector<1x16xf32> to vector<16xf32>
      %parallel_loop3A_270 = vector.shape_cast %parallel_loop3A_265 : vector<16xf32> to vector<1x16xf32>
      tpu.vector_store %arg9[%parallel_loop3A_266, %parallel_loop3A_267], %parallel_loop3A_270 {strides = array<i32>} : memref<200x64xf32, #tpu.memory_space<vmem>>, vector<1x16xf32>,
      %parallel_loop3A_271 = arith.index_cast %parallel_loop3A_258 : i32 to index
      %parallel_loop3A_272 = arith.constant 16 : index
      %parallel_loop3A_273 = tpu.vector_load %arg7[%parallel_loop3A_271, %parallel_loop3A_272] {strides = array<i32>} : memref<200x64xf32, #tpu.memory_space<vmem>>, vector<1x16xf32>,
      %parallel_loop3A_274 = vector.shape_cast %parallel_loop3A_273 : vector<1x16xf32> to vector<16xf32>
      %parallel_loop3A_275 = arith.constant 8.000000e+00 : f32
      %parallel_loop3A_276 = vector.broadcast %parallel_loop3A_275 : f32 to vector<16xf32>
      %parallel_loop3A_277 = arith.mulf %parallel_loop3A_274, %parallel_loop3A_276 : vector<16xf32>
      %parallel_loop3A_278 = arith.index_cast %parallel_loop3A_258 : i32 to index
      %parallel_loop3A_279 = arith.constant 16 : index
      %parallel_loop3A_280 = tpu.vector_load %arg9[%parallel_loop3A_278, %parallel_loop3A_279] {strides = array<i32>} : memref<200x64xf32, #tpu.memory_space<vmem>>, vector<1x16xf32>,
      %parallel_loop3A_281 = vector.shape_cast %parallel_loop3A_280 : vector<1x16xf32> to vector<16xf32>
      %parallel_loop3A_282 = vector.shape_cast %parallel_loop3A_277 : vector<16xf32> to vector<1x16xf32>
      tpu.vector_store %arg9[%parallel_loop3A_278, %parallel_loop3A_279], %parallel_loop3A_282 {strides = array<i32>} : memref<200x64xf32, #tpu.memory_space<vmem>>, vector<1x16xf32>,
      %parallel_loop3A_283 = arith.index_cast %parallel_loop3A_258 : i32 to index
      %parallel_loop3A_284 = arith.constant 32 : index
      %parallel_loop3A_285 = tpu.vector_load %arg7[%parallel_loop3A_283, %parallel_loop3A_284] {strides = array<i32>} : memref<200x64xf32, #tpu.memory_space<vmem>>, vector<1x16xf32>,
      %parallel_loop3A_286 = vector.shape_cast %parallel_loop3A_285 : vector<1x16xf32> to vector<16xf32>
      %parallel_loop3A_287 = arith.constant 8.000000e+00 : f32
      %parallel_loop3A_288 = vector.broadcast %parallel_loop3A_287 : f32 to vector<16xf32>
      %parallel_loop3A_289 = arith.mulf %parallel_loop3A_286, %parallel_loop3A_288 : vector<16xf32>
      %parallel_loop3A_290 = arith.index_cast %parallel_loop3A_258 : i32 to index
      %parallel_loop3A_291 = arith.constant 32 : index
      %parallel_loop3A_292 = tpu.vector_load %arg9[%parallel_loop3A_290, %parallel_loop3A_291] {strides = array<i32>} : memref<200x64xf32, #tpu.memory_space<vmem>>, vector<1x16xf32>,
      %parallel_loop3A_293 = vector.shape_cast %parallel_loop3A_292 : vector<1x16xf32> to vector<16xf32>
      %parallel_loop3A_294 = vector.shape_cast %parallel_loop3A_289 : vector<16xf32> to vector<1x16xf32>
      tpu.vector_store %arg9[%parallel_loop3A_290, %parallel_loop3A_291], %parallel_loop3A_294 {strides = array<i32>} : memref<200x64xf32, #tpu.memory_space<vmem>>, vector<1x16xf32>,
      %parallel_loop3A_295 = arith.index_cast %parallel_loop3A_258 : i32 to index
      %parallel_loop3A_296 = arith.constant 48 : index
      %parallel_loop3A_297 = tpu.vector_load %arg7[%parallel_loop3A_295, %parallel_loop3A_296] {strides = array<i32>} : memref<200x64xf32, #tpu.memory_space<vmem>>, vector<1x16xf32>,
      %parallel_loop3A_298 = vector.shape_cast %parallel_loop3A_297 : vector<1x16xf32> to vector<16xf32>
      %parallel_loop3A_299 = arith.constant 8.000000e+00 : f32
      %parallel_loop3A_300 = vector.broadcast %parallel_loop3A_299 : f32 to vector<16xf32>
      %parallel_loop3A_301 = arith.mulf %parallel_loop3A_298, %parallel_loop3A_300 : vector<16xf32>
      %parallel_loop3A_302 = arith.index_cast %parallel_loop3A_258 : i32 to index
      %parallel_loop3A_303 = arith.constant 48 : index
      %parallel_loop3A_304 = tpu.vector_load %arg9[%parallel_loop3A_302, %parallel_loop3A_303] {strides = array<i32>} : memref<200x64xf32, #tpu.memory_space<vmem>>, vector<1x16xf32>,
      %parallel_loop3A_305 = vector.shape_cast %parallel_loop3A_304 : vector<1x16xf32> to vector<16xf32>
      %parallel_loop3A_306 = vector.shape_cast %parallel_loop3A_301 : vector<16xf32> to vector<1x16xf32>
      tpu.vector_store %arg9[%parallel_loop3A_302, %parallel_loop3A_303], %parallel_loop3A_306 {strides = array<i32>} : memref<200x64xf32, #tpu.memory_space<vmem>>, vector<1x16xf32>,
    } {sc.loop_unroll_factor = 8 : i64, sc.parallel_access}
    %add3A_116 = arith.constant 1 : i32
    %add3A_117 = arith.addi %mul3A_2, %add3A_116 : i32
    %dma_start3A_118 = arith.constant 0 : i32
    %dma_start3A_119 = arith.constant 0 : i32
    %dma_start3A_120 = tpu.memref_slice %arg4[%add3A_117, %dma_start3A_118, %dma_start3A_119] : memref<4096x200x64xf32, #tpu.memory_space<hbm>> -> memref<1x200x64xf32, #tpu.memory_space<hbm>>
    %dma_start3A_121 = tpu.memref_squeeze %dma_start3A_120 : memref<1x200x64xf32, #tpu.memory_space<hbm>> -> memref<200x64xf32, #tpu.memory_space<hbm>>
    %dma_start3A_122 = arith.constant 0 : i32
    %dma_start3A_123 = arith.constant 0 : i32
    %dma_start3A_124 = tpu.memref_slice %arg4[%add3A_117, %dma_start3A_122, %dma_start3A_123] : memref<4096x200x64xf32, #tpu.memory_space<hbm>> -> memref<1x200x64xf32, #tpu.memory_space<hbm>>
    %dma_start3A_125 = tpu.memref_squeeze %dma_start3A_124 : memref<1x200x64xf32, #tpu.memory_space<hbm>> -> memref<200x64xf32, #tpu.memory_space<hbm>>
    tpu.enqueue_dma source(%arg9 : memref<200x64xf32, #tpu.memory_space<vmem>>) target(%dma_start3A_125 : memref<200x64xf32, #tpu.memory_space<hbm>>) target_semaphore(%arg13 : memref<!tpu.dma_semaphore, #tpu.memory_space<semaphore_mem>>)
    %dma_start3A_126 = arith.constant 3 : i32
    %dma_start3A_127 = arith.constant 0 : i32
    %dma_start3A_128 = arith.constant 0 : i32
    %dma_start3A_129 = tpu.memref_slice %arg7[%dma_start3A_127, %dma_start3A_128] : memref<200x64xf32, #tpu.memory_space<vmem>> -> memref<128x64xf32, #tpu.memory_space<vmem>>
    %dma_start3A_130 = arith.constant 0 : i32
    %dma_start3A_131 = tpu.memref_slice %arg5[%dma_start3A_126, %dma_start3A_130] : memref<128x200xi32, #tpu.memory_space<vmem>> -> memref<1x128xi32, #tpu.memory_space<vmem>>
    %dma_start3A_132 = tpu.memref_squeeze %dma_start3A_131 : memref<1x128xi32, #tpu.memory_space<vmem>> -> memref<128xi32, #tpu.memory_space<vmem>>
    %dma_start3A_133 = arith.constant 0 : i32
    %dma_start3A_134 = arith.constant 0 : i32
    %dma_start3A_135 = tpu.memref_slice %arg3[%dma_start3A_133, %dma_start3A_134] : memref<1000000x64xf32, #tpu.memory_space<hbm>> -> memref<1000000x64xf32, #tpu.memory_space<hbm>>
    tpu.enqueue_indirect_dma source(%dma_start3A_135 : memref<1000000x64xf32, #tpu.memory_space<hbm>>) target(%dma_start3A_129 : memref<128x64xf32, #tpu.memory_space<vmem>>) offsets(%dma_start3A_132 : memref<128xi32, #tpu.memory_space<vmem>>) semaphore(%arg11 : memref<!tpu.dma_semaphore, #tpu.memory_space<semaphore_mem>>)
    %dma_start3A_136 = arith.constant 3 : i32
    %dma_start3A_137 = arith.constant 128 : i32
    %dma_start3A_138 = arith.constant 0 : i32
    %dma_start3A_139 = tpu.memref_slice %arg7[%dma_start3A_137, %dma_start3A_138] : memref<200x64xf32, #tpu.memory_space<vmem>> -> memref<72x64xf32, #tpu.memory_space<vmem>>
    %dma_start3A_140 = arith.constant 128 : i32
    %dma_start3A_141 = tpu.memref_slice %arg5[%dma_start3A_136, %dma_start3A_140] : memref<128x200xi32, #tpu.memory_space<vmem>> -> memref<1x72xi32, #tpu.memory_space<vmem>>
    %dma_start3A_142 = tpu.memref_squeeze %dma_start3A_141 : memref<1x72xi32, #tpu.memory_space<vmem>> -> memref<72xi32, #tpu.memory_space<vmem>>
    %dma_start3A_143 = arith.constant 0 : i32
    %dma_start3A_144 = arith.constant 0 : i32
    %dma_start3A_145 = tpu.memref_slice %arg3[%dma_start3A_143, %dma_start3A_144] : memref<1000000x64xf32, #tpu.memory_space<hbm>> -> memref<1000000x64xf32, #tpu.memory_space<hbm>>
    tpu.enqueue_indirect_dma source(%dma_start3A_145 : memref<1000000x64xf32, #tpu.memory_space<hbm>>) target(%dma_start3A_139 : memref<72x64xf32, #tpu.memory_space<vmem>>) offsets(%dma_start3A_142 : memref<72xi32, #tpu.memory_space<vmem>>) semaphore(%arg11 : memref<!tpu.dma_semaphore, #tpu.memory_space<semaphore_mem>>)
    %scan3A = arith.constant 0 : i32
    %scan3A_146 = arith.constant 1 : i32
    %scan3A_147 = arith.constant 62 : i32
    %scan3A_148 = arith.addi %scan3A_146, %scan3A_147 : i32
    %scan3A_149 = arith.constant 1 : i32
    %scan3A_150 = scf.for %scan3A_258 = %scan3A_146 to %scan3A_148 step %scan3A_149 iter_args(%scan3A_259 = %scan3A) -> (i32)  : i32 {
      %mul3A_260 = arith.constant 2 : i32
      %mul3A_261 = arith.muli %scan3A_258, %mul3A_260 : i32
      %add3A_262 = arith.constant 0 : i32
      %add3A_263 = arith.addi %mul3A_261, %add3A_262 : i32
      %dma_wait3A_264 = arith.constant 0 : i32
      %dma_wait3A_265 = arith.constant 0 : i32
      %dma_wait3A_266 = tpu.memref_slice %arg6[%dma_wait3A_264, %dma_wait3A_265] : memref<200x64xf32, #tpu.memory_space<vmem>> -> memref<128x64xf32, #tpu.memory_space<vmem>>
      %dma_wait3A_267 = arith.constant 0 : i32
      %dma_wait3A_268 = tpu.memref_slice %arg5[%add3A_263, %dma_wait3A_267] : memref<128x200xi32, #tpu.memory_space<vmem>> -> memref<1x128xi32, #tpu.memory_space<vmem>>
      %dma_wait3A_269 = tpu.memref_squeeze %dma_wait3A_268 : memref<1x128xi32, #tpu.memory_space<vmem>> -> memref<128xi32, #tpu.memory_space<vmem>>
      %dma_wait3A_270 = arith.constant 0 : i32
      %dma_wait3A_271 = arith.constant 0 : i32
      %dma_wait3A_272 = tpu.memref_slice %arg3[%dma_wait3A_270, %dma_wait3A_271] : memref<1000000x64xf32, #tpu.memory_space<hbm>> -> memref<1000000x64xf32, #tpu.memory_space<hbm>>
      tpu.wait_indirect_dma semaphore(%arg10 : memref<!tpu.dma_semaphore, #tpu.memory_space<semaphore_mem>>) src(%dma_wait3A_272 : memref<1000000x64xf32, #tpu.memory_space<hbm>>) dst(%dma_wait3A_266 : memref<128x64xf32, #tpu.memory_space<vmem>>)
      %dma_wait3A_273 = arith.constant 128 : i32
      %dma_wait3A_274 = arith.constant 0 : i32
      %dma_wait3A_275 = tpu.memref_slice %arg6[%dma_wait3A_273, %dma_wait3A_274] : memref<200x64xf32, #tpu.memory_space<vmem>> -> memref<72x64xf32, #tpu.memory_space<vmem>>
      %dma_wait3A_276 = arith.constant 128 : i32
      %dma_wait3A_277 = tpu.memref_slice %arg5[%add3A_263, %dma_wait3A_276] : memref<128x200xi32, #tpu.memory_space<vmem>> -> memref<1x72xi32, #tpu.memory_space<vmem>>
      %dma_wait3A_278 = tpu.memref_squeeze %dma_wait3A_277 : memref<1x72xi32, #tpu.memory_space<vmem>> -> memref<72xi32, #tpu.memory_space<vmem>>
      %dma_wait3A_279 = arith.constant 0 : i32
      %dma_wait3A_280 = arith.constant 0 : i32
      %dma_wait3A_281 = tpu.memref_slice %arg3[%dma_wait3A_279, %dma_wait3A_280] : memref<1000000x64xf32, #tpu.memory_space<hbm>> -> memref<1000000x64xf32, #tpu.memory_space<hbm>>
      tpu.wait_indirect_dma semaphore(%arg10 : memref<!tpu.dma_semaphore, #tpu.memory_space<semaphore_mem>>) src(%dma_wait3A_281 : memref<1000000x64xf32, #tpu.memory_space<hbm>>) dst(%dma_wait3A_275 : memref<72x64xf32, #tpu.memory_space<vmem>>)
      %sub3A = arith.constant 2 : i32
      %sub3A_282 = arith.subi %add3A_263, %sub3A : i32
      %add3A_283 = arith.addi %mul3A_2, %sub3A_282 : i32
      %dma_wait3A_284 = arith.constant 0 : i32
      %dma_wait3A_285 = arith.constant 0 : i32
      %dma_wait3A_286 = tpu.memref_slice %arg4[%add3A_283, %dma_wait3A_284, %dma_wait3A_285] : memref<4096x200x64xf32, #tpu.memory_space<hbm>> -> memref<1x200x64xf32, #tpu.memory_space<hbm>>
      %dma_wait3A_287 = tpu.memref_squeeze %dma_wait3A_286 : memref<1x200x64xf32, #tpu.memory_space<hbm>> -> memref<200x64xf32, #tpu.memory_space<hbm>>
      %dma_wait3A_288 = arith.constant 0 : i32
      %dma_wait3A_289 = arith.constant 0 : i32
      %dma_wait3A_290 = tpu.memref_slice %arg4[%add3A_283, %dma_wait3A_288, %dma_wait3A_289] : memref<4096x200x64xf32, #tpu.memory_space<hbm>> -> memref<1x200x64xf32, #tpu.memory_space<hbm>>
      %dma_wait3A_291 = tpu.memref_squeeze %dma_wait3A_290 : memref<1x200x64xf32, #tpu.memory_space<hbm>> -> memref<200x64xf32, #tpu.memory_space<hbm>>
      tpu.wait_dma2 semaphore(%arg12 : memref<!tpu.dma_semaphore, #tpu.memory_space<semaphore_mem>>) src(%arg8 : memref<200x64xf32, #tpu.memory_space<vmem>>) dst(%dma_wait3A_291 : memref<200x64xf32, #tpu.memory_space<hbm>>)
      %parallel_loop3A_292 = arith.constant 0 : i32
      %parallel_loop3A_293 = arith.constant 200 : i32
      %parallel_loop3A_294 = arith.constant 1 : i32
      scf.for %parallel_loop3A_390 = %parallel_loop3A_292 to %parallel_loop3A_293 step %parallel_loop3A_294  : i32 {
        %parallel_loop3A_391 = arith.index_cast %parallel_loop3A_390 : i32 to index
        %parallel_loop3A_392 = arith.constant 0 : index
        %parallel_loop3A_393 = tpu.vector_load %arg6[%parallel_loop3A_391, %parallel_loop3A_392] {strides = array<i32>} : memref<200x64xf32, #tpu.memory_space<vmem>>, vector<1x16xf32>,
        %parallel_loop3A_394 = vector.shape_cast %parallel_loop3A_393 : vector<1x16xf32> to vector<16xf32>
        %parallel_loop3A_395 = arith.constant 8.000000e+00 : f32
        %parallel_loop3A_396 = vector.broadcast %parallel_loop3A_395 : f32 to vector<16xf32>
        %parallel_loop3A_397 = arith.mulf %parallel_loop3A_394, %parallel_loop3A_396 : vector<16xf32>
        %parallel_loop3A_398 = arith.index_cast %parallel_loop3A_390 : i32 to index
        %parallel_loop3A_399 = arith.constant 0 : index
        %parallel_loop3A_400 = tpu.vector_load %arg8[%parallel_loop3A_398, %parallel_loop3A_399] {strides = array<i32>} : memref<200x64xf32, #tpu.memory_space<vmem>>, vector<1x16xf32>,
        %parallel_loop3A_401 = vector.shape_cast %parallel_loop3A_400 : vector<1x16xf32> to vector<16xf32>
        %parallel_loop3A_402 = vector.shape_cast %parallel_loop3A_397 : vector<16xf32> to vector<1x16xf32>
        tpu.vector_store %arg8[%parallel_loop3A_398, %parallel_loop3A_399], %parallel_loop3A_402 {strides = array<i32>} : memref<200x64xf32, #tpu.memory_space<vmem>>, vector<1x16xf32>,
        %parallel_loop3A_403 = arith.index_cast %parallel_loop3A_390 : i32 to index
        %parallel_loop3A_404 = arith.constant 16 : index
        %parallel_loop3A_405 = tpu.vector_load %arg6[%parallel_loop3A_403, %parallel_loop3A_404] {strides = array<i32>} : memref<200x64xf32, #tpu.memory_space<vmem>>, vector<1x16xf32>,
        %parallel_loop3A_406 = vector.shape_cast %parallel_loop3A_405 : vector<1x16xf32> to vector<16xf32>
        %parallel_loop3A_407 = arith.constant 8.000000e+00 : f32
        %parallel_loop3A_408 = vector.broadcast %parallel_loop3A_407 : f32 to vector<16xf32>
        %parallel_loop3A_409 = arith.mulf %parallel_loop3A_406, %parallel_loop3A_408 : vector<16xf32>
        %parallel_loop3A_410 = arith.index_cast %parallel_loop3A_390 : i32 to index
        %parallel_loop3A_411 = arith.constant 16 : index
        %parallel_loop3A_412 = tpu.vector_load %arg8[%parallel_loop3A_410, %parallel_loop3A_411] {strides = array<i32>} : memref<200x64xf32, #tpu.memory_space<vmem>>, vector<1x16xf32>,
        %parallel_loop3A_413 = vector.shape_cast %parallel_loop3A_412 : vector<1x16xf32> to vector<16xf32>
        %parallel_loop3A_414 = vector.shape_cast %parallel_loop3A_409 : vector<16xf32> to vector<1x16xf32>
        tpu.vector_store %arg8[%parallel_loop3A_410, %parallel_loop3A_411], %parallel_loop3A_414 {strides = array<i32>} : memref<200x64xf32, #tpu.memory_space<vmem>>, vector<1x16xf32>,
        %parallel_loop3A_415 = arith.index_cast %parallel_loop3A_390 : i32 to index
        %parallel_loop3A_416 = arith.constant 32 : index
        %parallel_loop3A_417 = tpu.vector_load %arg6[%parallel_loop3A_415, %parallel_loop3A_416] {strides = array<i32>} : memref<200x64xf32, #tpu.memory_space<vmem>>, vector<1x16xf32>,
        %parallel_loop3A_418 = vector.shape_cast %parallel_loop3A_417 : vector<1x16xf32> to vector<16xf32>
        %parallel_loop3A_419 = arith.constant 8.000000e+00 : f32
        %parallel_loop3A_420 = vector.broadcast %parallel_loop3A_419 : f32 to vector<16xf32>
        %parallel_loop3A_421 = arith.mulf %parallel_loop3A_418, %parallel_loop3A_420 : vector<16xf32>
        %parallel_loop3A_422 = arith.index_cast %parallel_loop3A_390 : i32 to index
        %parallel_loop3A_423 = arith.constant 32 : index
        %parallel_loop3A_424 = tpu.vector_load %arg8[%parallel_loop3A_422, %parallel_loop3A_423] {strides = array<i32>} : memref<200x64xf32, #tpu.memory_space<vmem>>, vector<1x16xf32>,
        %parallel_loop3A_425 = vector.shape_cast %parallel_loop3A_424 : vector<1x16xf32> to vector<16xf32>
        %parallel_loop3A_426 = vector.shape_cast %parallel_loop3A_421 : vector<16xf32> to vector<1x16xf32>
        tpu.vector_store %arg8[%parallel_loop3A_422, %parallel_loop3A_423], %parallel_loop3A_426 {strides = array<i32>} : memref<200x64xf32, #tpu.memory_space<vmem>>, vector<1x16xf32>,
        %parallel_loop3A_427 = arith.index_cast %parallel_loop3A_390 : i32 to index
        %parallel_loop3A_428 = arith.constant 48 : index
        %parallel_loop3A_429 = tpu.vector_load %arg6[%parallel_loop3A_427, %parallel_loop3A_428] {strides = array<i32>} : memref<200x64xf32, #tpu.memory_space<vmem>>, vector<1x16xf32>,
        %parallel_loop3A_430 = vector.shape_cast %parallel_loop3A_429 : vector<1x16xf32> to vector<16xf32>
        %parallel_loop3A_431 = arith.constant 8.000000e+00 : f32
        %parallel_loop3A_432 = vector.broadcast %parallel_loop3A_431 : f32 to vector<16xf32>
        %parallel_loop3A_433 = arith.mulf %parallel_loop3A_430, %parallel_loop3A_432 : vector<16xf32>
        %parallel_loop3A_434 = arith.index_cast %parallel_loop3A_390 : i32 to index
        %parallel_loop3A_435 = arith.constant 48 : index
        %parallel_loop3A_436 = tpu.vector_load %arg8[%parallel_loop3A_434, %parallel_loop3A_435] {strides = array<i32>} : memref<200x64xf32, #tpu.memory_space<vmem>>, vector<1x16xf32>,
        %parallel_loop3A_437 = vector.shape_cast %parallel_loop3A_436 : vector<1x16xf32> to vector<16xf32>
        %parallel_loop3A_438 = vector.shape_cast %parallel_loop3A_433 : vector<16xf32> to vector<1x16xf32>
        tpu.vector_store %arg8[%parallel_loop3A_434, %parallel_loop3A_435], %parallel_loop3A_438 {strides = array<i32>} : memref<200x64xf32, #tpu.memory_space<vmem>>, vector<1x16xf32>,
      } {sc.loop_unroll_factor = 8 : i64, sc.parallel_access}
      %add3A_295 = arith.addi %mul3A_2, %add3A_263 : i32
      %dma_start3A_296 = arith.constant 0 : i32
      %dma_start3A_297 = arith.constant 0 : i32
      %dma_start3A_298 = tpu.memref_slice %arg4[%add3A_295, %dma_start3A_296, %dma_start3A_297] : memref<4096x200x64xf32, #tpu.memory_space<hbm>> -> memref<1x200x64xf32, #tpu.memory_space<hbm>>
      %dma_start3A_299 = tpu.memref_squeeze %dma_start3A_298 : memref<1x200x64xf32, #tpu.memory_space<hbm>> -> memref<200x64xf32, #tpu.memory_space<hbm>>
      %dma_start3A_300 = arith.constant 0 : i32
      %dma_start3A_301 = arith.constant 0 : i32
      %dma_start3A_302 = tpu.memref_slice %arg4[%add3A_295, %dma_start3A_300, %dma_start3A_301] : memref<4096x200x64xf32, #tpu.memory_space<hbm>> -> memref<1x200x64xf32, #tpu.memory_space<hbm>>
      %dma_start3A_303 = tpu.memref_squeeze %dma_start3A_302 : memref<1x200x64xf32, #tpu.memory_space<hbm>> -> memref<200x64xf32, #tpu.memory_space<hbm>>
      tpu.enqueue_dma source(%arg8 : memref<200x64xf32, #tpu.memory_space<vmem>>) target(%dma_start3A_303 : memref<200x64xf32, #tpu.memory_space<hbm>>) target_semaphore(%arg12 : memref<!tpu.dma_semaphore, #tpu.memory_space<semaphore_mem>>)
      %add3A_304 = arith.constant 2 : i32
      %add3A_305 = arith.addi %add3A_263, %add3A_304 : i32
      %dma_start3A_306 = arith.constant 0 : i32
      %dma_start3A_307 = arith.constant 0 : i32
      %dma_start3A_308 = tpu.memref_slice %arg6[%dma_start3A_306, %dma_start3A_307] : memref<200x64xf32, #tpu.memory_space<vmem>> -> memref<128x64xf32, #tpu.memory_space<vmem>>
      %dma_start3A_309 = arith.constant 0 : i32
      %dma_start3A_310 = tpu.memref_slice %arg5[%add3A_305, %dma_start3A_309] : memref<128x200xi32, #tpu.memory_space<vmem>> -> memref<1x128xi32, #tpu.memory_space<vmem>>
      %dma_start3A_311 = tpu.memref_squeeze %dma_start3A_310 : memref<1x128xi32, #tpu.memory_space<vmem>> -> memref<128xi32, #tpu.memory_space<vmem>>
      %dma_start3A_312 = arith.constant 0 : i32
      %dma_start3A_313 = arith.constant 0 : i32
      %dma_start3A_314 = tpu.memref_slice %arg3[%dma_start3A_312, %dma_start3A_313] : memref<1000000x64xf32, #tpu.memory_space<hbm>> -> memref<1000000x64xf32, #tpu.memory_space<hbm>>
      tpu.enqueue_indirect_dma source(%dma_start3A_314 : memref<1000000x64xf32, #tpu.memory_space<hbm>>) target(%dma_start3A_308 : memref<128x64xf32, #tpu.memory_space<vmem>>) offsets(%dma_start3A_311 : memref<128xi32, #tpu.memory_space<vmem>>) semaphore(%arg10 : memref<!tpu.dma_semaphore, #tpu.memory_space<semaphore_mem>>)
      %dma_start3A_315 = arith.constant 128 : i32
      %dma_start3A_316 = arith.constant 0 : i32
      %dma_start3A_317 = tpu.memref_slice %arg6[%dma_start3A_315, %dma_start3A_316] : memref<200x64xf32, #tpu.memory_space<vmem>> -> memref<72x64xf32, #tpu.memory_space<vmem>>
      %dma_start3A_318 = arith.constant 128 : i32
      %dma_start3A_319 = tpu.memref_slice %arg5[%add3A_305, %dma_start3A_318] : memref<128x200xi32, #tpu.memory_space<vmem>> -> memref<1x72xi32, #tpu.memory_space<vmem>>
      %dma_start3A_320 = tpu.memref_squeeze %dma_start3A_319 : memref<1x72xi32, #tpu.memory_space<vmem>> -> memref<72xi32, #tpu.memory_space<vmem>>
      %dma_start3A_321 = arith.constant 0 : i32
      %dma_start3A_322 = arith.constant 0 : i32
      %dma_start3A_323 = tpu.memref_slice %arg3[%dma_start3A_321, %dma_start3A_322] : memref<1000000x64xf32, #tpu.memory_space<hbm>> -> memref<1000000x64xf32, #tpu.memory_space<hbm>>
      tpu.enqueue_indirect_dma source(%dma_start3A_323 : memref<1000000x64xf32, #tpu.memory_space<hbm>>) target(%dma_start3A_317 : memref<72x64xf32, #tpu.memory_space<vmem>>) offsets(%dma_start3A_320 : memref<72xi32, #tpu.memory_space<vmem>>) semaphore(%arg10 : memref<!tpu.dma_semaphore, #tpu.memory_space<semaphore_mem>>)
      %mul3A_324 = arith.constant 2 : i32
      %mul3A_325 = arith.muli %scan3A_258, %mul3A_324 : i32
      %add3A_326 = arith.constant 1 : i32
      %add3A_327 = arith.addi %mul3A_325, %add3A_326 : i32
      %dma_wait3A_328 = arith.constant 0 : i32
      %dma_wait3A_329 = arith.constant 0 : i32
      %dma_wait3A_330 = tpu.memref_slice %arg7[%dma_wait3A_328, %dma_wait3A_329] : memref<200x64xf32, #tpu.memory_space<vmem>> -> memref<128x64xf32, #tpu.memory_space<vmem>>
      %dma_wait3A_331 = arith.constant 0 : i32
      %dma_wait3A_332 = tpu.memref_slice %arg5[%add3A_327, %dma_wait3A_331] : memref<128x200xi32, #tpu.memory_space<vmem>> -> memref<1x128xi32, #tpu.memory_space<vmem>>
      %dma_wait3A_333 = tpu.memref_squeeze %dma_wait3A_332 : memref<1x128xi32, #tpu.memory_space<vmem>> -> memref<128xi32, #tpu.memory_space<vmem>>
      %dma_wait3A_334 = arith.constant 0 : i32
      %dma_wait3A_335 = arith.constant 0 : i32
      %dma_wait3A_336 = tpu.memref_slice %arg3[%dma_wait3A_334, %dma_wait3A_335] : memref<1000000x64xf32, #tpu.memory_space<hbm>> -> memref<1000000x64xf32, #tpu.memory_space<hbm>>
      tpu.wait_indirect_dma semaphore(%arg11 : memref<!tpu.dma_semaphore, #tpu.memory_space<semaphore_mem>>) src(%dma_wait3A_336 : memref<1000000x64xf32, #tpu.memory_space<hbm>>) dst(%dma_wait3A_330 : memref<128x64xf32, #tpu.memory_space<vmem>>)
      %dma_wait3A_337 = arith.constant 128 : i32
      %dma_wait3A_338 = arith.constant 0 : i32
      %dma_wait3A_339 = tpu.memref_slice %arg7[%dma_wait3A_337, %dma_wait3A_338] : memref<200x64xf32, #tpu.memory_space<vmem>> -> memref<72x64xf32, #tpu.memory_space<vmem>>
      %dma_wait3A_340 = arith.constant 128 : i32
      %dma_wait3A_341 = tpu.memref_slice %arg5[%add3A_327, %dma_wait3A_340] : memref<128x200xi32, #tpu.memory_space<vmem>> -> memref<1x72xi32, #tpu.memory_space<vmem>>
      %dma_wait3A_342 = tpu.memref_squeeze %dma_wait3A_341 : memref<1x72xi32, #tpu.memory_space<vmem>> -> memref<72xi32, #tpu.memory_space<vmem>>
      %dma_wait3A_343 = arith.constant 0 : i32
      %dma_wait3A_344 = arith.constant 0 : i32
      %dma_wait3A_345 = tpu.memref_slice %arg3[%dma_wait3A_343, %dma_wait3A_344] : memref<1000000x64xf32, #tpu.memory_space<hbm>> -> memref<1000000x64xf32, #tpu.memory_space<hbm>>
      tpu.wait_indirect_dma semaphore(%arg11 : memref<!tpu.dma_semaphore, #tpu.memory_space<semaphore_mem>>) src(%dma_wait3A_345 : memref<1000000x64xf32, #tpu.memory_space<hbm>>) dst(%dma_wait3A_339 : memref<72x64xf32, #tpu.memory_space<vmem>>)
      %sub3A_346 = arith.constant 2 : i32
      %sub3A_347 = arith.subi %add3A_327, %sub3A_346 : i32
      %add3A_348 = arith.addi %mul3A_2, %sub3A_347 : i32
      %dma_wait3A_349 = arith.constant 0 : i32
      %dma_wait3A_350 = arith.constant 0 : i32
      %dma_wait3A_351 = tpu.memref_slice %arg4[%add3A_348, %dma_wait3A_349, %dma_wait3A_350] : memref<4096x200x64xf32, #tpu.memory_space<hbm>> -> memref<1x200x64xf32, #tpu.memory_space<hbm>>
      %dma_wait3A_352 = tpu.memref_squeeze %dma_wait3A_351 : memref<1x200x64xf32, #tpu.memory_space<hbm>> -> memref<200x64xf32, #tpu.memory_space<hbm>>
      %dma_wait3A_353 = arith.constant 0 : i32
      %dma_wait3A_354 = arith.constant 0 : i32
      %dma_wait3A_355 = tpu.memref_slice %arg4[%add3A_348, %dma_wait3A_353, %dma_wait3A_354] : memref<4096x200x64xf32, #tpu.memory_space<hbm>> -> memref<1x200x64xf32, #tpu.memory_space<hbm>>
      %dma_wait3A_356 = tpu.memref_squeeze %dma_wait3A_355 : memref<1x200x64xf32, #tpu.memory_space<hbm>> -> memref<200x64xf32, #tpu.memory_space<hbm>>
      tpu.wait_dma2 semaphore(%arg13 : memref<!tpu.dma_semaphore, #tpu.memory_space<semaphore_mem>>) src(%arg9 : memref<200x64xf32, #tpu.memory_space<vmem>>) dst(%dma_wait3A_356 : memref<200x64xf32, #tpu.memory_space<hbm>>)
      %parallel_loop3A_357 = arith.constant 0 : i32
      %parallel_loop3A_358 = arith.constant 200 : i32
      %parallel_loop3A_359 = arith.constant 1 : i32
      scf.for %parallel_loop3A_390 = %parallel_loop3A_357 to %parallel_loop3A_358 step %parallel_loop3A_359  : i32 {
        %parallel_loop3A_391 = arith.index_cast %parallel_loop3A_390 : i32 to index
        %parallel_loop3A_392 = arith.constant 0 : index
        %parallel_loop3A_393 = tpu.vector_load %arg7[%parallel_loop3A_391, %parallel_loop3A_392] {strides = array<i32>} : memref<200x64xf32, #tpu.memory_space<vmem>>, vector<1x16xf32>,
        %parallel_loop3A_394 = vector.shape_cast %parallel_loop3A_393 : vector<1x16xf32> to vector<16xf32>
        %parallel_loop3A_395 = arith.constant 8.000000e+00 : f32
        %parallel_loop3A_396 = vector.broadcast %parallel_loop3A_395 : f32 to vector<16xf32>
        %parallel_loop3A_397 = arith.mulf %parallel_loop3A_394, %parallel_loop3A_396 : vector<16xf32>
        %parallel_loop3A_398 = arith.index_cast %parallel_loop3A_390 : i32 to index
        %parallel_loop3A_399 = arith.constant 0 : index
        %parallel_loop3A_400 = tpu.vector_load %arg9[%parallel_loop3A_398, %parallel_loop3A_399] {strides = array<i32>} : memref<200x64xf32, #tpu.memory_space<vmem>>, vector<1x16xf32>,
        %parallel_loop3A_401 = vector.shape_cast %parallel_loop3A_400 : vector<1x16xf32> to vector<16xf32>
        %parallel_loop3A_402 = vector.shape_cast %parallel_loop3A_397 : vector<16xf32> to vector<1x16xf32>
        tpu.vector_store %arg9[%parallel_loop3A_398, %parallel_loop3A_399], %parallel_loop3A_402 {strides = array<i32>} : memref<200x64xf32, #tpu.memory_space<vmem>>, vector<1x16xf32>,
        %parallel_loop3A_403 = arith.index_cast %parallel_loop3A_390 : i32 to index
        %parallel_loop3A_404 = arith.constant 16 : index
        %parallel_loop3A_405 = tpu.vector_load %arg7[%parallel_loop3A_403, %parallel_loop3A_404] {strides = array<i32>} : memref<200x64xf32, #tpu.memory_space<vmem>>, vector<1x16xf32>,
        %parallel_loop3A_406 = vector.shape_cast %parallel_loop3A_405 : vector<1x16xf32> to vector<16xf32>
        %parallel_loop3A_407 = arith.constant 8.000000e+00 : f32
        %parallel_loop3A_408 = vector.broadcast %parallel_loop3A_407 : f32 to vector<16xf32>
        %parallel_loop3A_409 = arith.mulf %parallel_loop3A_406, %parallel_loop3A_408 : vector<16xf32>
        %parallel_loop3A_410 = arith.index_cast %parallel_loop3A_390 : i32 to index
        %parallel_loop3A_411 = arith.constant 16 : index
        %parallel_loop3A_412 = tpu.vector_load %arg9[%parallel_loop3A_410, %parallel_loop3A_411] {strides = array<i32>} : memref<200x64xf32, #tpu.memory_space<vmem>>, vector<1x16xf32>,
        %parallel_loop3A_413 = vector.shape_cast %parallel_loop3A_412 : vector<1x16xf32> to vector<16xf32>
        %parallel_loop3A_414 = vector.shape_cast %parallel_loop3A_409 : vector<16xf32> to vector<1x16xf32>
        tpu.vector_store %arg9[%parallel_loop3A_410, %parallel_loop3A_411], %parallel_loop3A_414 {strides = array<i32>} : memref<200x64xf32, #tpu.memory_space<vmem>>, vector<1x16xf32>,
        %parallel_loop3A_415 = arith.index_cast %parallel_loop3A_390 : i32 to index
        %parallel_loop3A_416 = arith.constant 32 : index
        %parallel_loop3A_417 = tpu.vector_load %arg7[%parallel_loop3A_415, %parallel_loop3A_416] {strides = array<i32>} : memref<200x64xf32, #tpu.memory_space<vmem>>, vector<1x16xf32>,
        %parallel_loop3A_418 = vector.shape_cast %parallel_loop3A_417 : vector<1x16xf32> to vector<16xf32>
        %parallel_loop3A_419 = arith.constant 8.000000e+00 : f32
        %parallel_loop3A_420 = vector.broadcast %parallel_loop3A_419 : f32 to vector<16xf32>
        %parallel_loop3A_421 = arith.mulf %parallel_loop3A_418, %parallel_loop3A_420 : vector<16xf32>
        %parallel_loop3A_422 = arith.index_cast %parallel_loop3A_390 : i32 to index
        %parallel_loop3A_423 = arith.constant 32 : index
        %parallel_loop3A_424 = tpu.vector_load %arg9[%parallel_loop3A_422, %parallel_loop3A_423] {strides = array<i32>} : memref<200x64xf32, #tpu.memory_space<vmem>>, vector<1x16xf32>,
        %parallel_loop3A_425 = vector.shape_cast %parallel_loop3A_424 : vector<1x16xf32> to vector<16xf32>
        %parallel_loop3A_426 = vector.shape_cast %parallel_loop3A_421 : vector<16xf32> to vector<1x16xf32>
        tpu.vector_store %arg9[%parallel_loop3A_422, %parallel_loop3A_423], %parallel_loop3A_426 {strides = array<i32>} : memref<200x64xf32, #tpu.memory_space<vmem>>, vector<1x16xf32>,
        %parallel_loop3A_427 = arith.index_cast %parallel_loop3A_390 : i32 to index
        %parallel_loop3A_428 = arith.constant 48 : index
        %parallel_loop3A_429 = tpu.vector_load %arg7[%parallel_loop3A_427, %parallel_loop3A_428] {strides = array<i32>} : memref<200x64xf32, #tpu.memory_space<vmem>>, vector<1x16xf32>,
        %parallel_loop3A_430 = vector.shape_cast %parallel_loop3A_429 : vector<1x16xf32> to vector<16xf32>
        %parallel_loop3A_431 = arith.constant 8.000000e+00 : f32
        %parallel_loop3A_432 = vector.broadcast %parallel_loop3A_431 : f32 to vector<16xf32>
        %parallel_loop3A_433 = arith.mulf %parallel_loop3A_430, %parallel_loop3A_432 : vector<16xf32>
        %parallel_loop3A_434 = arith.index_cast %parallel_loop3A_390 : i32 to index
        %parallel_loop3A_435 = arith.constant 48 : index
        %parallel_loop3A_436 = tpu.vector_load %arg9[%parallel_loop3A_434, %parallel_loop3A_435] {strides = array<i32>} : memref<200x64xf32, #tpu.memory_space<vmem>>, vector<1x16xf32>,
        %parallel_loop3A_437 = vector.shape_cast %parallel_loop3A_436 : vector<1x16xf32> to vector<16xf32>
        %parallel_loop3A_438 = vector.shape_cast %parallel_loop3A_433 : vector<16xf32> to vector<1x16xf32>
        tpu.vector_store %arg9[%parallel_loop3A_434, %parallel_loop3A_435], %parallel_loop3A_438 {strides = array<i32>} : memref<200x64xf32, #tpu.memory_space<vmem>>, vector<1x16xf32>,
      } {sc.loop_unroll_factor = 8 : i64, sc.parallel_access}
      %add3A_360 = arith.addi %mul3A_2, %add3A_327 : i32
      %dma_start3A_361 = arith.constant 0 : i32
      %dma_start3A_362 = arith.constant 0 : i32
      %dma_start3A_363 = tpu.memref_slice %arg4[%add3A_360, %dma_start3A_361, %dma_start3A_362] : memref<4096x200x64xf32, #tpu.memory_space<hbm>> -> memref<1x200x64xf32, #tpu.memory_space<hbm>>
      %dma_start3A_364 = tpu.memref_squeeze %dma_start3A_363 : memref<1x200x64xf32, #tpu.memory_space<hbm>> -> memref<200x64xf32, #tpu.memory_space<hbm>>
      %dma_start3A_365 = arith.constant 0 : i32
      %dma_start3A_366 = arith.constant 0 : i32
      %dma_start3A_367 = tpu.memref_slice %arg4[%add3A_360, %dma_start3A_365, %dma_start3A_366] : memref<4096x200x64xf32, #tpu.memory_space<hbm>> -> memref<1x200x64xf32, #tpu.memory_space<hbm>>
      %dma_start3A_368 = tpu.memref_squeeze %dma_start3A_367 : memref<1x200x64xf32, #tpu.memory_space<hbm>> -> memref<200x64xf32, #tpu.memory_space<hbm>>
      tpu.enqueue_dma source(%arg9 : memref<200x64xf32, #tpu.memory_space<vmem>>) target(%dma_start3A_368 : memref<200x64xf32, #tpu.memory_space<hbm>>) target_semaphore(%arg13 : memref<!tpu.dma_semaphore, #tpu.memory_space<semaphore_mem>>)
      %add3A_369 = arith.constant 2 : i32
      %add3A_370 = arith.addi %add3A_327, %add3A_369 : i32
      %dma_start3A_371 = arith.constant 0 : i32
      %dma_start3A_372 = arith.constant 0 : i32
      %dma_start3A_373 = tpu.memref_slice %arg7[%dma_start3A_371, %dma_start3A_372] : memref<200x64xf32, #tpu.memory_space<vmem>> -> memref<128x64xf32, #tpu.memory_space<vmem>>
      %dma_start3A_374 = arith.constant 0 : i32
      %dma_start3A_375 = tpu.memref_slice %arg5[%add3A_370, %dma_start3A_374] : memref<128x200xi32, #tpu.memory_space<vmem>> -> memref<1x128xi32, #tpu.memory_space<vmem>>
      %dma_start3A_376 = tpu.memref_squeeze %dma_start3A_375 : memref<1x128xi32, #tpu.memory_space<vmem>> -> memref<128xi32, #tpu.memory_space<vmem>>
      %dma_start3A_377 = arith.constant 0 : i32
      %dma_start3A_378 = arith.constant 0 : i32
      %dma_start3A_379 = tpu.memref_slice %arg3[%dma_start3A_377, %dma_start3A_378] : memref<1000000x64xf32, #tpu.memory_space<hbm>> -> memref<1000000x64xf32, #tpu.memory_space<hbm>>
      tpu.enqueue_indirect_dma source(%dma_start3A_379 : memref<1000000x64xf32, #tpu.memory_space<hbm>>) target(%dma_start3A_373 : memref<128x64xf32, #tpu.memory_space<vmem>>) offsets(%dma_start3A_376 : memref<128xi32, #tpu.memory_space<vmem>>) semaphore(%arg11 : memref<!tpu.dma_semaphore, #tpu.memory_space<semaphore_mem>>)
      %dma_start3A_380 = arith.constant 128 : i32
      %dma_start3A_381 = arith.constant 0 : i32
      %dma_start3A_382 = tpu.memref_slice %arg7[%dma_start3A_380, %dma_start3A_381] : memref<200x64xf32, #tpu.memory_space<vmem>> -> memref<72x64xf32, #tpu.memory_space<vmem>>
      %dma_start3A_383 = arith.constant 128 : i32
      %dma_start3A_384 = tpu.memref_slice %arg5[%add3A_370, %dma_start3A_383] : memref<128x200xi32, #tpu.memory_space<vmem>> -> memref<1x72xi32, #tpu.memory_space<vmem>>
      %dma_start3A_385 = tpu.memref_squeeze %dma_start3A_384 : memref<1x72xi32, #tpu.memory_space<vmem>> -> memref<72xi32, #tpu.memory_space<vmem>>
      %dma_start3A_386 = arith.constant 0 : i32
      %dma_start3A_387 = arith.constant 0 : i32
      %dma_start3A_388 = tpu.memref_slice %arg3[%dma_start3A_386, %dma_start3A_387] : memref<1000000x64xf32, #tpu.memory_space<hbm>> -> memref<1000000x64xf32, #tpu.memory_space<hbm>>
      tpu.enqueue_indirect_dma source(%dma_start3A_388 : memref<1000000x64xf32, #tpu.memory_space<hbm>>) target(%dma_start3A_382 : memref<72x64xf32, #tpu.memory_space<vmem>>) offsets(%dma_start3A_385 : memref<72xi32, #tpu.memory_space<vmem>>) semaphore(%arg11 : memref<!tpu.dma_semaphore, #tpu.memory_space<semaphore_mem>>)
      %scan3A_389 = arith.constant 0 : i32
      scf.yield %scan3A_389 : i32
    }
    %scan3A_151 = arith.constant 62 : i32
    %dma_wait3A_152 = arith.constant 126 : i32
    %dma_wait3A_153 = arith.constant 0 : i32
    %dma_wait3A_154 = arith.constant 0 : i32
    %dma_wait3A_155 = tpu.memref_slice %arg6[%dma_wait3A_153, %dma_wait3A_154] : memref<200x64xf32, #tpu.memory_space<vmem>> -> memref<128x64xf32, #tpu.memory_space<vmem>>
    %dma_wait3A_156 = arith.constant 0 : i32
    %dma_wait3A_157 = tpu.memref_slice %arg5[%dma_wait3A_152, %dma_wait3A_156] : memref<128x200xi32, #tpu.memory_space<vmem>> -> memref<1x128xi32, #tpu.memory_space<vmem>>
    %dma_wait3A_158 = tpu.memref_squeeze %dma_wait3A_157 : memref<1x128xi32, #tpu.memory_space<vmem>> -> memref<128xi32, #tpu.memory_space<vmem>>
    %dma_wait3A_159 = arith.constant 0 : i32
    %dma_wait3A_160 = arith.constant 0 : i32
    %dma_wait3A_161 = tpu.memref_slice %arg3[%dma_wait3A_159, %dma_wait3A_160] : memref<1000000x64xf32, #tpu.memory_space<hbm>> -> memref<1000000x64xf32, #tpu.memory_space<hbm>>
    tpu.wait_indirect_dma semaphore(%arg10 : memref<!tpu.dma_semaphore, #tpu.memory_space<semaphore_mem>>) src(%dma_wait3A_161 : memref<1000000x64xf32, #tpu.memory_space<hbm>>) dst(%dma_wait3A_155 : memref<128x64xf32, #tpu.memory_space<vmem>>)
    %dma_wait3A_162 = arith.constant 126 : i32
    %dma_wait3A_163 = arith.constant 128 : i32
    %dma_wait3A_164 = arith.constant 0 : i32
    %dma_wait3A_165 = tpu.memref_slice %arg6[%dma_wait3A_163, %dma_wait3A_164] : memref<200x64xf32, #tpu.memory_space<vmem>> -> memref<72x64xf32, #tpu.memory_space<vmem>>
    %dma_wait3A_166 = arith.constant 128 : i32
    %dma_wait3A_167 = tpu.memref_slice %arg5[%dma_wait3A_162, %dma_wait3A_166] : memref<128x200xi32, #tpu.memory_space<vmem>> -> memref<1x72xi32, #tpu.memory_space<vmem>>
    %dma_wait3A_168 = tpu.memref_squeeze %dma_wait3A_167 : memref<1x72xi32, #tpu.memory_space<vmem>> -> memref<72xi32, #tpu.memory_space<vmem>>
    %dma_wait3A_169 = arith.constant 0 : i32
    %dma_wait3A_170 = arith.constant 0 : i32
    %dma_wait3A_171 = tpu.memref_slice %arg3[%dma_wait3A_169, %dma_wait3A_170] : memref<1000000x64xf32, #tpu.memory_space<hbm>> -> memref<1000000x64xf32, #tpu.memory_space<hbm>>
    tpu.wait_indirect_dma semaphore(%arg10 : memref<!tpu.dma_semaphore, #tpu.memory_space<semaphore_mem>>) src(%dma_wait3A_171 : memref<1000000x64xf32, #tpu.memory_space<hbm>>) dst(%dma_wait3A_165 : memref<72x64xf32, #tpu.memory_space<vmem>>)
    %add3A_172 = arith.constant 124 : i32
    %add3A_173 = arith.addi %mul3A_2, %add3A_172 : i32
    %dma_wait3A_174 = arith.constant 0 : i32
    %dma_wait3A_175 = arith.constant 0 : i32
    %dma_wait3A_176 = tpu.memref_slice %arg4[%add3A_173, %dma_wait3A_174, %dma_wait3A_175] : memref<4096x200x64xf32, #tpu.memory_space<hbm>> -> memref<1x200x64xf32, #tpu.memory_space<hbm>>
    %dma_wait3A_177 = tpu.memref_squeeze %dma_wait3A_176 : memref<1x200x64xf32, #tpu.memory_space<hbm>> -> memref<200x64xf32, #tpu.memory_space<hbm>>
    %dma_wait3A_178 = arith.constant 0 : i32
    %dma_wait3A_179 = arith.constant 0 : i32
    %dma_wait3A_180 = tpu.memref_slice %arg4[%add3A_173, %dma_wait3A_178, %dma_wait3A_179] : memref<4096x200x64xf32, #tpu.memory_space<hbm>> -> memref<1x200x64xf32, #tpu.memory_space<hbm>>
    %dma_wait3A_181 = tpu.memref_squeeze %dma_wait3A_180 : memref<1x200x64xf32, #tpu.memory_space<hbm>> -> memref<200x64xf32, #tpu.memory_space<hbm>>
    tpu.wait_dma2 semaphore(%arg12 : memref<!tpu.dma_semaphore, #tpu.memory_space<semaphore_mem>>) src(%arg8 : memref<200x64xf32, #tpu.memory_space<vmem>>) dst(%dma_wait3A_181 : memref<200x64xf32, #tpu.memory_space<hbm>>)
    %parallel_loop3A_182 = arith.constant 0 : i32
    %parallel_loop3A_183 = arith.constant 200 : i32
    %parallel_loop3A_184 = arith.constant 1 : i32
    scf.for %parallel_loop3A_258 = %parallel_loop3A_182 to %parallel_loop3A_183 step %parallel_loop3A_184  : i32 {
      %parallel_loop3A_259 = arith.index_cast %parallel_loop3A_258 : i32 to index
      %parallel_loop3A_260 = arith.constant 0 : index
      %parallel_loop3A_261 = tpu.vector_load %arg6[%parallel_loop3A_259, %parallel_loop3A_260] {strides = array<i32>} : memref<200x64xf32, #tpu.memory_space<vmem>>, vector<1x16xf32>,
      %parallel_loop3A_262 = vector.shape_cast %parallel_loop3A_261 : vector<1x16xf32> to vector<16xf32>
      %parallel_loop3A_263 = arith.constant 8.000000e+00 : f32
      %parallel_loop3A_264 = vector.broadcast %parallel_loop3A_263 : f32 to vector<16xf32>
      %parallel_loop3A_265 = arith.mulf %parallel_loop3A_262, %parallel_loop3A_264 : vector<16xf32>
      %parallel_loop3A_266 = arith.index_cast %parallel_loop3A_258 : i32 to index
      %parallel_loop3A_267 = arith.constant 0 : index
      %parallel_loop3A_268 = tpu.vector_load %arg8[%parallel_loop3A_266, %parallel_loop3A_267] {strides = array<i32>} : memref<200x64xf32, #tpu.memory_space<vmem>>, vector<1x16xf32>,
      %parallel_loop3A_269 = vector.shape_cast %parallel_loop3A_268 : vector<1x16xf32> to vector<16xf32>
      %parallel_loop3A_270 = vector.shape_cast %parallel_loop3A_265 : vector<16xf32> to vector<1x16xf32>
      tpu.vector_store %arg8[%parallel_loop3A_266, %parallel_loop3A_267], %parallel_loop3A_270 {strides = array<i32>} : memref<200x64xf32, #tpu.memory_space<vmem>>, vector<1x16xf32>,
      %parallel_loop3A_271 = arith.index_cast %parallel_loop3A_258 : i32 to index
      %parallel_loop3A_272 = arith.constant 16 : index
      %parallel_loop3A_273 = tpu.vector_load %arg6[%parallel_loop3A_271, %parallel_loop3A_272] {strides = array<i32>} : memref<200x64xf32, #tpu.memory_space<vmem>>, vector<1x16xf32>,
      %parallel_loop3A_274 = vector.shape_cast %parallel_loop3A_273 : vector<1x16xf32> to vector<16xf32>
      %parallel_loop3A_275 = arith.constant 8.000000e+00 : f32
      %parallel_loop3A_276 = vector.broadcast %parallel_loop3A_275 : f32 to vector<16xf32>
      %parallel_loop3A_277 = arith.mulf %parallel_loop3A_274, %parallel_loop3A_276 : vector<16xf32>
      %parallel_loop3A_278 = arith.index_cast %parallel_loop3A_258 : i32 to index
      %parallel_loop3A_279 = arith.constant 16 : index
      %parallel_loop3A_280 = tpu.vector_load %arg8[%parallel_loop3A_278, %parallel_loop3A_279] {strides = array<i32>} : memref<200x64xf32, #tpu.memory_space<vmem>>, vector<1x16xf32>,
      %parallel_loop3A_281 = vector.shape_cast %parallel_loop3A_280 : vector<1x16xf32> to vector<16xf32>
      %parallel_loop3A_282 = vector.shape_cast %parallel_loop3A_277 : vector<16xf32> to vector<1x16xf32>
      tpu.vector_store %arg8[%parallel_loop3A_278, %parallel_loop3A_279], %parallel_loop3A_282 {strides = array<i32>} : memref<200x64xf32, #tpu.memory_space<vmem>>, vector<1x16xf32>,
      %parallel_loop3A_283 = arith.index_cast %parallel_loop3A_258 : i32 to index
      %parallel_loop3A_284 = arith.constant 32 : index
      %parallel_loop3A_285 = tpu.vector_load %arg6[%parallel_loop3A_283, %parallel_loop3A_284] {strides = array<i32>} : memref<200x64xf32, #tpu.memory_space<vmem>>, vector<1x16xf32>,
      %parallel_loop3A_286 = vector.shape_cast %parallel_loop3A_285 : vector<1x16xf32> to vector<16xf32>
      %parallel_loop3A_287 = arith.constant 8.000000e+00 : f32
      %parallel_loop3A_288 = vector.broadcast %parallel_loop3A_287 : f32 to vector<16xf32>
      %parallel_loop3A_289 = arith.mulf %parallel_loop3A_286, %parallel_loop3A_288 : vector<16xf32>
      %parallel_loop3A_290 = arith.index_cast %parallel_loop3A_258 : i32 to index
      %parallel_loop3A_291 = arith.constant 32 : index
      %parallel_loop3A_292 = tpu.vector_load %arg8[%parallel_loop3A_290, %parallel_loop3A_291] {strides = array<i32>} : memref<200x64xf32, #tpu.memory_space<vmem>>, vector<1x16xf32>,
      %parallel_loop3A_293 = vector.shape_cast %parallel_loop3A_292 : vector<1x16xf32> to vector<16xf32>
      %parallel_loop3A_294 = vector.shape_cast %parallel_loop3A_289 : vector<16xf32> to vector<1x16xf32>
      tpu.vector_store %arg8[%parallel_loop3A_290, %parallel_loop3A_291], %parallel_loop3A_294 {strides = array<i32>} : memref<200x64xf32, #tpu.memory_space<vmem>>, vector<1x16xf32>,
      %parallel_loop3A_295 = arith.index_cast %parallel_loop3A_258 : i32 to index
      %parallel_loop3A_296 = arith.constant 48 : index
      %parallel_loop3A_297 = tpu.vector_load %arg6[%parallel_loop3A_295, %parallel_loop3A_296] {strides = array<i32>} : memref<200x64xf32, #tpu.memory_space<vmem>>, vector<1x16xf32>,
      %parallel_loop3A_298 = vector.shape_cast %parallel_loop3A_297 : vector<1x16xf32> to vector<16xf32>
      %parallel_loop3A_299 = arith.constant 8.000000e+00 : f32
      %parallel_loop3A_300 = vector.broadcast %parallel_loop3A_299 : f32 to vector<16xf32>
      %parallel_loop3A_301 = arith.mulf %parallel_loop3A_298, %parallel_loop3A_300 : vector<16xf32>
      %parallel_loop3A_302 = arith.index_cast %parallel_loop3A_258 : i32 to index
      %parallel_loop3A_303 = arith.constant 48 : index
      %parallel_loop3A_304 = tpu.vector_load %arg8[%parallel_loop3A_302, %parallel_loop3A_303] {strides = array<i32>} : memref<200x64xf32, #tpu.memory_space<vmem>>, vector<1x16xf32>,
      %parallel_loop3A_305 = vector.shape_cast %parallel_loop3A_304 : vector<1x16xf32> to vector<16xf32>
      %parallel_loop3A_306 = vector.shape_cast %parallel_loop3A_301 : vector<16xf32> to vector<1x16xf32>
      tpu.vector_store %arg8[%parallel_loop3A_302, %parallel_loop3A_303], %parallel_loop3A_306 {strides = array<i32>} : memref<200x64xf32, #tpu.memory_space<vmem>>, vector<1x16xf32>,
    } {sc.loop_unroll_factor = 8 : i64, sc.parallel_access}
    %add3A_185 = arith.constant 126 : i32
    %add3A_186 = arith.addi %mul3A_2, %add3A_185 : i32
    %dma_start3A_187 = arith.constant 0 : i32
    %dma_start3A_188 = arith.constant 0 : i32
    %dma_start3A_189 = tpu.memref_slice %arg4[%add3A_186, %dma_start3A_187, %dma_start3A_188] : memref<4096x200x64xf32, #tpu.memory_space<hbm>> -> memref<1x200x64xf32, #tpu.memory_space<hbm>>
    %dma_start3A_190 = tpu.memref_squeeze %dma_start3A_189 : memref<1x200x64xf32, #tpu.memory_space<hbm>> -> memref<200x64xf32, #tpu.memory_space<hbm>>
    %dma_start3A_191 = arith.constant 0 : i32
    %dma_start3A_192 = arith.constant 0 : i32
    %dma_start3A_193 = tpu.memref_slice %arg4[%add3A_186, %dma_start3A_191, %dma_start3A_192] : memref<4096x200x64xf32, #tpu.memory_space<hbm>> -> memref<1x200x64xf32, #tpu.memory_space<hbm>>
    %dma_start3A_194 = tpu.memref_squeeze %dma_start3A_193 : memref<1x200x64xf32, #tpu.memory_space<hbm>> -> memref<200x64xf32, #tpu.memory_space<hbm>>
    tpu.enqueue_dma source(%arg8 : memref<200x64xf32, #tpu.memory_space<vmem>>) target(%dma_start3A_194 : memref<200x64xf32, #tpu.memory_space<hbm>>) target_semaphore(%arg12 : memref<!tpu.dma_semaphore, #tpu.memory_space<semaphore_mem>>)
    %dma_wait3A_195 = arith.constant 127 : i32
    %dma_wait3A_196 = arith.constant 0 : i32
    %dma_wait3A_197 = arith.constant 0 : i32
    %dma_wait3A_198 = tpu.memref_slice %arg7[%dma_wait3A_196, %dma_wait3A_197] : memref<200x64xf32, #tpu.memory_space<vmem>> -> memref<128x64xf32, #tpu.memory_space<vmem>>
    %dma_wait3A_199 = arith.constant 0 : i32
    %dma_wait3A_200 = tpu.memref_slice %arg5[%dma_wait3A_195, %dma_wait3A_199] : memref<128x200xi32, #tpu.memory_space<vmem>> -> memref<1x128xi32, #tpu.memory_space<vmem>>
    %dma_wait3A_201 = tpu.memref_squeeze %dma_wait3A_200 : memref<1x128xi32, #tpu.memory_space<vmem>> -> memref<128xi32, #tpu.memory_space<vmem>>
    %dma_wait3A_202 = arith.constant 0 : i32
    %dma_wait3A_203 = arith.constant 0 : i32
    %dma_wait3A_204 = tpu.memref_slice %arg3[%dma_wait3A_202, %dma_wait3A_203] : memref<1000000x64xf32, #tpu.memory_space<hbm>> -> memref<1000000x64xf32, #tpu.memory_space<hbm>>
    tpu.wait_indirect_dma semaphore(%arg11 : memref<!tpu.dma_semaphore, #tpu.memory_space<semaphore_mem>>) src(%dma_wait3A_204 : memref<1000000x64xf32, #tpu.memory_space<hbm>>) dst(%dma_wait3A_198 : memref<128x64xf32, #tpu.memory_space<vmem>>)
    %dma_wait3A_205 = arith.constant 127 : i32
    %dma_wait3A_206 = arith.constant 128 : i32
    %dma_wait3A_207 = arith.constant 0 : i32
    %dma_wait3A_208 = tpu.memref_slice %arg7[%dma_wait3A_206, %dma_wait3A_207] : memref<200x64xf32, #tpu.memory_space<vmem>> -> memref<72x64xf32, #tpu.memory_space<vmem>>
    %dma_wait3A_209 = arith.constant 128 : i32
    %dma_wait3A_210 = tpu.memref_slice %arg5[%dma_wait3A_205, %dma_wait3A_209] : memref<128x200xi32, #tpu.memory_space<vmem>> -> memref<1x72xi32, #tpu.memory_space<vmem>>
    %dma_wait3A_211 = tpu.memref_squeeze %dma_wait3A_210 : memref<1x72xi32, #tpu.memory_space<vmem>> -> memref<72xi32, #tpu.memory_space<vmem>>
    %dma_wait3A_212 = arith.constant 0 : i32
    %dma_wait3A_213 = arith.constant 0 : i32
    %dma_wait3A_214 = tpu.memref_slice %arg3[%dma_wait3A_212, %dma_wait3A_213] : memref<1000000x64xf32, #tpu.memory_space<hbm>> -> memref<1000000x64xf32, #tpu.memory_space<hbm>>
    tpu.wait_indirect_dma semaphore(%arg11 : memref<!tpu.dma_semaphore, #tpu.memory_space<semaphore_mem>>) src(%dma_wait3A_214 : memref<1000000x64xf32, #tpu.memory_space<hbm>>) dst(%dma_wait3A_208 : memref<72x64xf32, #tpu.memory_space<vmem>>)
    %add3A_215 = arith.constant 125 : i32
    %add3A_216 = arith.addi %mul3A_2, %add3A_215 : i32
    %dma_wait3A_217 = arith.constant 0 : i32
    %dma_wait3A_218 = arith.constant 0 : i32
    %dma_wait3A_219 = tpu.memref_slice %arg4[%add3A_216, %dma_wait3A_217, %dma_wait3A_218] : memref<4096x200x64xf32, #tpu.memory_space<hbm>> -> memref<1x200x64xf32, #tpu.memory_space<hbm>>
    %dma_wait3A_220 = tpu.memref_squeeze %dma_wait3A_219 : memref<1x200x64xf32, #tpu.memory_space<hbm>> -> memref<200x64xf32, #tpu.memory_space<hbm>>
    %dma_wait3A_221 = arith.constant 0 : i32
    %dma_wait3A_222 = arith.constant 0 : i32
    %dma_wait3A_223 = tpu.memref_slice %arg4[%add3A_216, %dma_wait3A_221, %dma_wait3A_222] : memref<4096x200x64xf32, #tpu.memory_space<hbm>> -> memref<1x200x64xf32, #tpu.memory_space<hbm>>
    %dma_wait3A_224 = tpu.memref_squeeze %dma_wait3A_223 : memref<1x200x64xf32, #tpu.memory_space<hbm>> -> memref<200x64xf32, #tpu.memory_space<hbm>>
    tpu.wait_dma2 semaphore(%arg13 : memref<!tpu.dma_semaphore, #tpu.memory_space<semaphore_mem>>) src(%arg9 : memref<200x64xf32, #tpu.memory_space<vmem>>) dst(%dma_wait3A_224 : memref<200x64xf32, #tpu.memory_space<hbm>>)
    %parallel_loop3A_225 = arith.constant 0 : i32
    %parallel_loop3A_226 = arith.constant 200 : i32
    %parallel_loop3A_227 = arith.constant 1 : i32
    scf.for %parallel_loop3A_258 = %parallel_loop3A_225 to %parallel_loop3A_226 step %parallel_loop3A_227  : i32 {
      %parallel_loop3A_259 = arith.index_cast %parallel_loop3A_258 : i32 to index
      %parallel_loop3A_260 = arith.constant 0 : index
      %parallel_loop3A_261 = tpu.vector_load %arg7[%parallel_loop3A_259, %parallel_loop3A_260] {strides = array<i32>} : memref<200x64xf32, #tpu.memory_space<vmem>>, vector<1x16xf32>,
      %parallel_loop3A_262 = vector.shape_cast %parallel_loop3A_261 : vector<1x16xf32> to vector<16xf32>
      %parallel_loop3A_263 = arith.constant 8.000000e+00 : f32
      %parallel_loop3A_264 = vector.broadcast %parallel_loop3A_263 : f32 to vector<16xf32>
      %parallel_loop3A_265 = arith.mulf %parallel_loop3A_262, %parallel_loop3A_264 : vector<16xf32>
      %parallel_loop3A_266 = arith.index_cast %parallel_loop3A_258 : i32 to index
      %parallel_loop3A_267 = arith.constant 0 : index
      %parallel_loop3A_268 = tpu.vector_load %arg9[%parallel_loop3A_266, %parallel_loop3A_267] {strides = array<i32>} : memref<200x64xf32, #tpu.memory_space<vmem>>, vector<1x16xf32>,
      %parallel_loop3A_269 = vector.shape_cast %parallel_loop3A_268 : vector<1x16xf32> to vector<16xf32>
      %parallel_loop3A_270 = vector.shape_cast %parallel_loop3A_265 : vector<16xf32> to vector<1x16xf32>
      tpu.vector_store %arg9[%parallel_loop3A_266, %parallel_loop3A_267], %parallel_loop3A_270 {strides = array<i32>} : memref<200x64xf32, #tpu.memory_space<vmem>>, vector<1x16xf32>,
      %parallel_loop3A_271 = arith.index_cast %parallel_loop3A_258 : i32 to index
      %parallel_loop3A_272 = arith.constant 16 : index
      %parallel_loop3A_273 = tpu.vector_load %arg7[%parallel_loop3A_271, %parallel_loop3A_272] {strides = array<i32>} : memref<200x64xf32, #tpu.memory_space<vmem>>, vector<1x16xf32>,
      %parallel_loop3A_274 = vector.shape_cast %parallel_loop3A_273 : vector<1x16xf32> to vector<16xf32>
      %parallel_loop3A_275 = arith.constant 8.000000e+00 : f32
      %parallel_loop3A_276 = vector.broadcast %parallel_loop3A_275 : f32 to vector<16xf32>
      %parallel_loop3A_277 = arith.mulf %parallel_loop3A_274, %parallel_loop3A_276 : vector<16xf32>
      %parallel_loop3A_278 = arith.index_cast %parallel_loop3A_258 : i32 to index
      %parallel_loop3A_279 = arith.constant 16 : index
      %parallel_loop3A_280 = tpu.vector_load %arg9[%parallel_loop3A_278, %parallel_loop3A_279] {strides = array<i32>} : memref<200x64xf32, #tpu.memory_space<vmem>>, vector<1x16xf32>,
      %parallel_loop3A_281 = vector.shape_cast %parallel_loop3A_280 : vector<1x16xf32> to vector<16xf32>
      %parallel_loop3A_282 = vector.shape_cast %parallel_loop3A_277 : vector<16xf32> to vector<1x16xf32>
      tpu.vector_store %arg9[%parallel_loop3A_278, %parallel_loop3A_279], %parallel_loop3A_282 {strides = array<i32>} : memref<200x64xf32, #tpu.memory_space<vmem>>, vector<1x16xf32>,
      %parallel_loop3A_283 = arith.index_cast %parallel_loop3A_258 : i32 to index
      %parallel_loop3A_284 = arith.constant 32 : index
      %parallel_loop3A_285 = tpu.vector_load %arg7[%parallel_loop3A_283, %parallel_loop3A_284] {strides = array<i32>} : memref<200x64xf32, #tpu.memory_space<vmem>>, vector<1x16xf32>,
      %parallel_loop3A_286 = vector.shape_cast %parallel_loop3A_285 : vector<1x16xf32> to vector<16xf32>
      %parallel_loop3A_287 = arith.constant 8.000000e+00 : f32
      %parallel_loop3A_288 = vector.broadcast %parallel_loop3A_287 : f32 to vector<16xf32>
      %parallel_loop3A_289 = arith.mulf %parallel_loop3A_286, %parallel_loop3A_288 : vector<16xf32>
      %parallel_loop3A_290 = arith.index_cast %parallel_loop3A_258 : i32 to index
      %parallel_loop3A_291 = arith.constant 32 : index
      %parallel_loop3A_292 = tpu.vector_load %arg9[%parallel_loop3A_290, %parallel_loop3A_291] {strides = array<i32>} : memref<200x64xf32, #tpu.memory_space<vmem>>, vector<1x16xf32>,
      %parallel_loop3A_293 = vector.shape_cast %parallel_loop3A_292 : vector<1x16xf32> to vector<16xf32>
      %parallel_loop3A_294 = vector.shape_cast %parallel_loop3A_289 : vector<16xf32> to vector<1x16xf32>
      tpu.vector_store %arg9[%parallel_loop3A_290, %parallel_loop3A_291], %parallel_loop3A_294 {strides = array<i32>} : memref<200x64xf32, #tpu.memory_space<vmem>>, vector<1x16xf32>,
      %parallel_loop3A_295 = arith.index_cast %parallel_loop3A_258 : i32 to index
      %parallel_loop3A_296 = arith.constant 48 : index
      %parallel_loop3A_297 = tpu.vector_load %arg7[%parallel_loop3A_295, %parallel_loop3A_296] {strides = array<i32>} : memref<200x64xf32, #tpu.memory_space<vmem>>, vector<1x16xf32>,
      %parallel_loop3A_298 = vector.shape_cast %parallel_loop3A_297 : vector<1x16xf32> to vector<16xf32>
      %parallel_loop3A_299 = arith.constant 8.000000e+00 : f32
      %parallel_loop3A_300 = vector.broadcast %parallel_loop3A_299 : f32 to vector<16xf32>
      %parallel_loop3A_301 = arith.mulf %parallel_loop3A_298, %parallel_loop3A_300 : vector<16xf32>
      %parallel_loop3A_302 = arith.index_cast %parallel_loop3A_258 : i32 to index
      %parallel_loop3A_303 = arith.constant 48 : index
      %parallel_loop3A_304 = tpu.vector_load %arg9[%parallel_loop3A_302, %parallel_loop3A_303] {strides = array<i32>} : memref<200x64xf32, #tpu.memory_space<vmem>>, vector<1x16xf32>,
      %parallel_loop3A_305 = vector.shape_cast %parallel_loop3A_304 : vector<1x16xf32> to vector<16xf32>
      %parallel_loop3A_306 = vector.shape_cast %parallel_loop3A_301 : vector<16xf32> to vector<1x16xf32>
      tpu.vector_store %arg9[%parallel_loop3A_302, %parallel_loop3A_303], %parallel_loop3A_306 {strides = array<i32>} : memref<200x64xf32, #tpu.memory_space<vmem>>, vector<1x16xf32>,
    } {sc.loop_unroll_factor = 8 : i64, sc.parallel_access}
    %add3A_228 = arith.constant 127 : i32
    %add3A_229 = arith.addi %mul3A_2, %add3A_228 : i32
    %dma_start3A_230 = arith.constant 0 : i32
    %dma_start3A_231 = arith.constant 0 : i32
    %dma_start3A_232 = tpu.memref_slice %arg4[%add3A_229, %dma_start3A_230, %dma_start3A_231] : memref<4096x200x64xf32, #tpu.memory_space<hbm>> -> memref<1x200x64xf32, #tpu.memory_space<hbm>>
    %dma_start3A_233 = tpu.memref_squeeze %dma_start3A_232 : memref<1x200x64xf32, #tpu.memory_space<hbm>> -> memref<200x64xf32, #tpu.memory_space<hbm>>
    %dma_start3A_234 = arith.constant 0 : i32
    %dma_start3A_235 = arith.constant 0 : i32
    %dma_start3A_236 = tpu.memref_slice %arg4[%add3A_229, %dma_start3A_234, %dma_start3A_235] : memref<4096x200x64xf32, #tpu.memory_space<hbm>> -> memref<1x200x64xf32, #tpu.memory_space<hbm>>
    %dma_start3A_237 = tpu.memref_squeeze %dma_start3A_236 : memref<1x200x64xf32, #tpu.memory_space<hbm>> -> memref<200x64xf32, #tpu.memory_space<hbm>>
    tpu.enqueue_dma source(%arg9 : memref<200x64xf32, #tpu.memory_space<vmem>>) target(%dma_start3A_237 : memref<200x64xf32, #tpu.memory_space<hbm>>) target_semaphore(%arg13 : memref<!tpu.dma_semaphore, #tpu.memory_space<semaphore_mem>>)
    %add3A_238 = arith.constant 126 : i32
    %add3A_239 = arith.addi %mul3A_2, %add3A_238 : i32
    %dma_wait3A_240 = arith.constant 0 : i32
    %dma_wait3A_241 = arith.constant 0 : i32
    %dma_wait3A_242 = tpu.memref_slice %arg4[%add3A_239, %dma_wait3A_240, %dma_wait3A_241] : memref<4096x200x64xf32, #tpu.memory_space<hbm>> -> memref<1x200x64xf32, #tpu.memory_space<hbm>>
    %dma_wait3A_243 = tpu.memref_squeeze %dma_wait3A_242 : memref<1x200x64xf32, #tpu.memory_space<hbm>> -> memref<200x64xf32, #tpu.memory_space<hbm>>
    %dma_wait3A_244 = arith.constant 0 : i32
    %dma_wait3A_245 = arith.constant 0 : i32
    %dma_wait3A_246 = tpu.memref_slice %arg4[%add3A_239, %dma_wait3A_244, %dma_wait3A_245] : memref<4096x200x64xf32, #tpu.memory_space<hbm>> -> memref<1x200x64xf32, #tpu.memory_space<hbm>>
    %dma_wait3A_247 = tpu.memref_squeeze %dma_wait3A_246 : memref<1x200x64xf32, #tpu.memory_space<hbm>> -> memref<200x64xf32, #tpu.memory_space<hbm>>
    tpu.wait_dma2 semaphore(%arg12 : memref<!tpu.dma_semaphore, #tpu.memory_space<semaphore_mem>>) src(%arg8 : memref<200x64xf32, #tpu.memory_space<vmem>>) dst(%dma_wait3A_247 : memref<200x64xf32, #tpu.memory_space<hbm>>)
    %add3A_248 = arith.constant 127 : i32
    %add3A_249 = arith.addi %mul3A_2, %add3A_248 : i32
    %dma_wait3A_250 = arith.constant 0 : i32
    %dma_wait3A_251 = arith.constant 0 : i32
    %dma_wait3A_252 = tpu.memref_slice %arg4[%add3A_249, %dma_wait3A_250, %dma_wait3A_251] : memref<4096x200x64xf32, #tpu.memory_space<hbm>> -> memref<1x200x64xf32, #tpu.memory_space<hbm>>
    %dma_wait3A_253 = tpu.memref_squeeze %dma_wait3A_252 : memref<1x200x64xf32, #tpu.memory_space<hbm>> -> memref<200x64xf32, #tpu.memory_space<hbm>>
    %dma_wait3A_254 = arith.constant 0 : i32
    %dma_wait3A_255 = arith.constant 0 : i32
    %dma_wait3A_256 = tpu.memref_slice %arg4[%add3A_249, %dma_wait3A_254, %dma_wait3A_255] : memref<4096x200x64xf32, #tpu.memory_space<hbm>> -> memref<1x200x64xf32, #tpu.memory_space<hbm>>
    %dma_wait3A_257 = tpu.memref_squeeze %dma_wait3A_256 : memref<1x200x64xf32, #tpu.memory_space<hbm>> -> memref<200x64xf32, #tpu.memory_space<hbm>>
    tpu.wait_dma2 semaphore(%arg13 : memref<!tpu.dma_semaphore, #tpu.memory_space<semaphore_mem>>) src(%arg9 : memref<200x64xf32, #tpu.memory_space<vmem>>) dst(%dma_wait3A_257 : memref<200x64xf32, #tpu.memory_space<hbm>>)
    return
  }
}

</mosaic_0001>

<sc_bundles>
// kernel: kernel.3.cloned.1.call-start
scs
__scs_entry_jumppad:
0x0: {  	(pc) =	sbr.rel $0x88, $3  }
0x1: {  	(tag) =	ssettag $0x0;
	lr =	simm.s32 $0x1  }
0x2: {  	[smem:$0x3F9F] =	sst lr;
	_ =	strace $0xD0000000  }
0x3: {  	_ = 	snop  }
0x4: {  	_ = 	snop  }
0x5: {  	_ = 	snop  }
0x6: {  	_ = 	snop  }
0x7: {  	_ = 	snop  }
__scs_overlays_trampoline_lowered:
0x8: {  	[smem:$0x3FAE] =	sst s0  }
0x9: {  	[smem:$0x3FAF] =	sst s1  }
0xa: {  	[smem:$0x3FB0] =	sst s2  }
0xb: {  	[smem:$0x3FB1] =	sst s3  }
0xc: {  	[smem:$0x3FB2] =	sst s4  }
0xd: {  	[smem:$0x3FB3] =	sst s5  }
0xe: {  	[smem:$0x3FB4] =	sst s6  }
0xf: {  	[smem:$0x3FB5] =	sst s7  }
0x10: {  	[smem:$0x3FB6] =	sst s8  }
0x11: {  	[smem:$0x3FB7] =	sst s9;
	s0 =	simm.s32 @!p0 $0x0  }
0x12: {  	s1 =	sld [smem:$0x3F9D];
	s0 =	simm.s32 @p0 $0x1  }
0x13: {  	[smem:$0x3FB8] =	sst s0;
	s0 =	simm.s32 @!p1 $0x0  }
0x14: {  	s2 =	sld [smem:$0x3F9C];
	s0 =	simm.s32 @p1 $0x1  }
0x15: {  	[smem:$0x3FB9] =	sst s0;
	s0 =	simm.s32 @!p2 $0x0  }
0x16: {  	s3 =	sld [smem:$0x3FDB];
	s0 =	simm.s32 @p2 $0x1  }
0x17: {  	s4 =	simm.s32 $0x1BF5;
	[smem:$0x3FBB] =	sst s0  }
0x18: {  	s0 =	sld [smem:$0x3F9E];
	_ =	swait.ge [sflag:s4], $0x0  }
0x19: {  	s7 =	sld [smem:$0x3F9F]  }
0x1a: {  	s8 =	sadd.s32 $0xFFFFE003, lr  }
0x1b: {  	s9 =	sadd.s32 $0xFFFFFEF7, lr;
	s5 =	simm.s32 $0xFFFFFFFF;
	p2 =	slt.u32 s8, $0xFFFFF086  }
0x1c: {  	p1 =	slt.u32 s9, $0xF7A;
	s5 =	simm.s32 @!p2 $0x0  }
0x1d: {  	s5 =	simm.s32 @p1 $0x1;
	p0 =	seq.s32 s7, s2  }
0x1e: {  	s7 =	smul.u32 @!p0 $0xF7A, s2;
	p2 =	seq.s32 @!p0 s5, $0x0  }
0x1f: {  	s9 =	smul.u32 $0xF7A, s1;
	s8 =	simm.s32 @!p0 $0x1BF5;
	p2 =	por !p2, p0  }
0x20: {  	[sflag:s8] =	ssyncset.s32 @!p0 $0xFFFFF086;
	s6 =	sadd.s32 @!p0 s3, s7;
	s7 =	simm.s32 @!p0 $0x108  }
0x21: {  	s3 =	sadd.s32 s3, s9;
	s6 =	sadd.s32 @!p0 $0x88, s6;
	s7 =	simm.s32 @p2 $0x1082  }
0x22: {  	[simem:s7], [sflag:s8] =	dma.local @!p0 [hbm:s6], $0xF7A  }
0x23: {  	s9 =	sor.u32 $0xD0000000, s2;
	s6 =	simm.s32 $0x108;
	_ =	swait.ge @!p0 [sflag:s8], $0x0  }
0x24: {  	s3 =	sadd.s32 $0x88, s3;
	s6 =	simm.s32 @!p1 $0x1082;
	[sflag:s4] =	ssyncset.s32 $0xFFFFF086  }
0x25: {  	[simem:s6], [sflag:s4] =	dma.local [hbm:s3], $0xF7A  }
0x26: {  	[smem:$0x3F9F] =	sst s1;
	(tag) =	ssettag s2;
	_ =	strace s9  }
0x27: {  	s1 =	sld [smem:$0x3FAF]  }
0x28: {  	s2 =	sld [smem:$0x3FB0]  }
0x29: {  	s4 =	sld [smem:$0x3FB2]  }
0x2a: {  	p0 =	seq.s32 s5, $0x0;
	s5 =	sld [smem:$0x3FB3]  }
0x2b: {  	s6 =	sld [smem:$0x3FB4]  }
0x2c: {  	s7 =	sld [smem:$0x3FB5]  }
0x2d: {  	s3 =	simm.s32 $0x108;
	s8 =	sld [smem:$0x3FB6]  }
0x2e: {  	s3 =	simm.s32 @!p0 $0x1082;
	s9 =	sld [smem:$0x3FB7]  }
0x2f: {  	lr =	sadd.s32 s0, s3;
	s0 =	sld [smem:$0x3FAE]  }
0x30: {  	s3 =	sld [smem:$0x3FB1]  }
0x31: {  	[smem:$0x3FBA] =	sst s10  }
0x32: {  	s10 =	sld [smem:$0x3FB8];
	_ =	sdelay $0x3  }
0x33: {  	p0 =	seq.s32 s10, $0x1;
	s10 =	sld [smem:$0x3FBA];
	_ =	sdelay $0x3  }
0x34: {  	[smem:$0x3FBA] =	sst s10  }
0x35: {  	s10 =	sld [smem:$0x3FB9];
	_ =	sdelay $0x3  }
0x36: {  	p1 =	seq.s32 s10, $0x1;
	s10 =	sld [smem:$0x3FBA];
	_ =	sdelay $0x3  }
0x37: {  	[smem:$0x3FBA] =	sst s10  }
0x38: {  	s10 =	sld [smem:$0x3FBB]  }
0x39: {  	_ = 	snop;
	(pc) =	sbr.ind lr, $3  }
0x3a: {  	_ = 	snop  }
0x3b: {  	_ = 	snop  }
0x3c: {  	p2 =	seq.s32 s10, $0x1;
	s10 =	sld [smem:$0x3FBA]  }
0x3d: {  	_ =	shalt  }
0x3e: {  	_ =	shalt  }
0x3f: {  	_ =	shalt  }
0x40: {  	_ =	shalt  }
0x41: {  	_ =	shalt  }
0x42: {  	_ =	shalt  }
0x43: {  	_ =	shalt  }
0x44: {  	_ =	shalt  }
0x45: {  	_ =	shalt  }
0x46: {  	_ =	shalt  }
0x47: {  	_ =	shalt  }
0x48: {  	_ =	shalt  }
0x49: {  	_ =	shalt  }
0x4a: {  	_ =	shalt  }
0x4b: {  	_ =	shalt  }
0x4c: {  	_ =	shalt  }
0x4d: {  	_ =	shalt  }
0x4e: {  	_ =	shalt  }
0x4f: {  	_ =	shalt  }
0x50: {  	_ =	shalt  }
0x51: {  	_ =	shalt  }
0x52: {  	_ =	shalt  }
0x53: {  	_ =	shalt  }
0x54: {  	_ =	shalt  }
0x55: {  	_ =	shalt  }
0x56: {  	_ =	shalt  }
0x57: {  	_ =	shalt  }
0x58: {  	_ =	shalt  }
0x59: {  	_ =	shalt  }
0x5a: {  	_ =	shalt  }
0x5b: {  	_ =	shalt  }
0x5c: {  	_ =	shalt  }
0x5d: {  	_ =	shalt  }
0x5e: {  	_ =	shalt  }
0x5f: {  	_ =	shalt  }
0x60: {  	_ =	shalt  }
0x61: {  	_ =	shalt  }
0x62: {  	_ =	shalt  }
0x63: {  	_ =	shalt  }
0x64: {  	_ =	shalt  }
0x65: {  	_ =	shalt  }
0x66: {  	_ =	shalt  }
0x67: {  	_ =	shalt  }
0x68: {  	_ =	shalt  }
0x69: {  	_ =	shalt  }
0x6a: {  	_ =	shalt  }
0x6b: {  	_ =	shalt  }
0x6c: {  	_ =	shalt  }
0x6d: {  	_ =	shalt  }
0x6e: {  	_ =	shalt  }
0x6f: {  	_ =	shalt  }
0x70: {  	_ =	shalt  }
0x71: {  	_ =	shalt  }
0x72: {  	_ =	shalt  }
0x73: {  	_ =	shalt  }
0x74: {  	_ =	shalt  }
0x75: {  	_ =	shalt  }
0x76: {  	_ =	shalt  }
0x77: {  	_ =	shalt  }
0x78: {  	_ =	shalt  }
0x79: {  	_ =	shalt  }
0x7a: {  	_ =	shalt  }
0x7b: {  	_ =	shalt  }
0x7c: {  	_ =	shalt  }
0x7d: {  	_ =	shalt  }
0x7e: {  	_ =	shalt  }
0x7f: {  	_ =	shalt  }
0x80: {  	_ =	shalt  }
0x81: {  	_ =	shalt  }
0x82: {  	_ =	shalt  }
0x83: {  	_ =	shalt  }
0x84: {  	_ =	shalt  }
0x85: {  	_ =	shalt  }
0x86: {  	_ =	shalt  }
0x87: {  	_ =	shalt  }
.Lfunc_end0:
.L_simem_size_0:
called_computation.1_lowered:
.L_overlay_start_0:
0x88: {  	s2 =	sld [smem:$0x3FD9]  }
0x89: {  	s3 =	sld [smem:$0x3FFE];
	_ =	sdelay $0x1  }
0x8a: {  	s1 =	srdreg.scid  }
0x8b: {  	s0 =	sand.u32 $0x1, s1  }
0x8c: {  	s17 =	sshll.u32 s0, $0xA;
	s2 =	sadd.s32 s3, s2  }
0x8d: {  	s2 =	sadd.s32 s2, s17  }
0x8e: {  	[smem:$0x3FC6] =	sst s2  }
0x8f: {  	_ = 	snop  }
0x90: {  	s2 =	sld [smem:$0x3FD0];
	(tm) =	ssettm $0x1  }
0x91: {  	s18 =	sld [smem:$0x3FFB];
	_ =	sdelay $0x3  }
0x92: {  	_ =	strace s18  }
0x93: {  	s3 =	sld [smem:$0x3FFC];
	_ =	sdelay $0x3  }
0x94: {  	_ =	strace s3  }
0x95: {  	s3 =	sld [smem:$0x3FFD];
	_ =	sdelay $0x3  }
0x96: {  	_ =	strace s3  }
0x97: {  	_ =	strace $0x8FFFFFFF  }
0x98: {  	s19 =	sld [smem:$0x3FDB];
	_ =	sdelay $0x1  }
0x99: {  	s4 =	simm.s32 $_scs_section_size  }
0x9a: {  	s5 =	simm.s32 $_size__tile_overlayer_lowered;
	s6 =	simm.s32 $_tile_overlayer_lowered  }
0x9b: {  	s22 =	simm.s32 $0x1BFF;
	s21 =	sshll.u32 s6, $0x1;
	s3 =	sadd.s32 s4, s19  }
0x9c: {  	s7 =	simm.s32 $0x0;
	s20 =	sshll.u32 s5, $0x1;
	s5 =	sadd.s32 s21, s3  }
0x9d: {  	[timem:s7], [sflag:s22] =	dma.local [hbm:s5], s20  }
0x9e: {  	_ =	swait.ge [sflag:s22], s20  }
0x9f: {  	s4 =	ssub.s32 $0x0, s20;
	[sflag:s22] =	ssyncset.done $0x0  }
0xa0: {  	[sflag:s22] =	ssyncadd.s32 s4;
	_ =	sdelay $0x1  }
0xa1: {  	s23 =	simm.s32 $0x1B8B  }
0xa2: {  	_ =	swait.ge [sflag:s23], $0x1  }
0xa3: {  	[sflag:s23] =	ssyncset.done $0x0  }
0xa4: {  	s25 =	simm.s32 $0x1B8E;
	s24 =	sld [smem:$0x3FFE];
	[sflag:s23] =	ssyncadd.s32 $0xFFFFFFFF  }
0xa5: {  	s26 =	simm.s32 $execute0_lowered;
	[smem:$0x3FD2] =	sst s25  }
0xa6: {  	s5 =	sshll.u32 s26, $0x1;
	_ =	strace $0x80000046;
	[dreg:$0x1] =	wrdreg $0xFFFFFFFF  }
0xa7: {  	s28 =	simm.s32 $_size_execute0_lowered;
	s3 =	sadd.s32 s3, s5;
	[dreg:$0x0] =	wrdreg $0x0  }
0xa8: {  	s5 =	sshll.u32 s28, $0x1;
	[dreg:$0x2] =	wrdreg s3  }
0xa9: {  	[dreg:$0x3] =	wrdreg s5  }
0xaa: {  	[dreg:$0x4] =	wrdreg $0xC0  }
0xab: {  	_ =	task [dreg:s7], $0x5FFFF  }
0xac: {  	[dreg:$0x1] =	wrdreg $0xFFFFFFFF  }
0xad: {  	[dreg:$0x0] =	wrdreg $0x60  }
0xae: {  	[dreg:$0x2] =	wrdreg s24  }
0xaf: {  	[dreg:$0x3] =	wrdreg s2  }
0xb0: {  	[dreg:$0x4] =	wrdreg $0x9  }
0xb1: {  	_ =	task.clear_ibuf [dreg:s7], $0x5FFFF;
	_ =	strace $0x90000046  }
0xb2: {  	s29 =	simm.s32 $0x9;
	_ =	strace $0x80000048  }
0xb3: {  	_ =	swait.ge [sflag:s29], $0x1  }
0xb4: {  	[sflag:s29] =	ssyncadd.s32 $0xFFFFFFFF  }
0xb5: {  	_ =	strace $0x90000048  }
0xb6: {  	_ =	sfence  }
0xb7: {  	s30 =	sld [smem:$0x0];
	_ =	sdelay $0x2  }
0xb8: {  	s31 =	sshll.u32 s1, $0xD;
	s1 =	sshrl.u32 s1, $0x2  }
0xb9: {  	s3 =	sand.u32 $0x4000, s31;
	s1 =	sadd.s32 s1, s30  }
0xba: {  	s0 =	sor.u32 s3, s0;
	s1 =	sshll.u32 s1, $0x11  }
0xbb: {  	s0 =	sor.u32 s1, s0  }
0xbc: {  	s0 =	sadd.s32 $0x8F2B, s0  }
0xbd: {  	[sflag:s0] =	ssyncadd.remote.s32 $0x1  }
0xbe: {  	_ =	sfence.sel $0xFFFF  }
0xbf: {  	[dreg:$0x0] =	wrdreg $0xFFFFFFFF;
	(pc) =	sbr.abs _section_cstart, $3  }
0xc0: {  	[dreg:$0x1] =	wrdreg $0xFFFFFFFF  }
0xc1: {  	_ =	task.clear_ibuf [dreg:s7], $0x2FFFF;
	_ =	strace $0x9FFFFFFF  }
0xc2: {  	(tm) =	ssettm $0x7FFFFFFF  }
0xc3: {  	_ =	shalt  }
tec
execute0_lowered:
.L_overlay_start_1:
0x0: {  	(tag) =	ssettag $0x1  }
0x1: {  	s0 =	srdreg.scid  }
0x2: {  	s1 =	rddreg [dreg:$0x0];
	s3 =	stileid.u32  }
0x3: {  	s2 =	rddreg [dreg:$0x1];
	s12 =	simm.s32 $0x5;
	s13 =	simm.s32 $0x80  }
0x4: {  	s14 =	simm.s32 $0x6400;
	s15 =	simm.s32 $0x48;
	s16 =	simm.s32 $0x8400  }
0x5: {  	s18 =	simm.s32 $0x9600;
	s20 =	simm.s32 $0xB600;
	s21 =	simm.s32 $0x1  }
0x6: {  	s22 =	simm.s32 $0xC800;
	s25 =	simm.s32 $0x2;
	s0 =	sand.u32 $0x1, s0  }
0x7: {  	s26 =	simm.s32 $0xFA00;
	s4 =	sshll.u32 s3, $0x8;
	s5 =	sshll.u32 s0, $0x7  }
0x8: {  	s29 =	simm.s32 $0x2D8;
	s30 =	simm.s32 $0x3;
	s4 =	sor.u32 s5, s4  }
0x9: {  	s31 =	simm.s32 $0x4;
	s0 =	ssub.s32 $0x2, s0;
	s5 =	smul.u32 $0x19, s4  }
0xa: {  	s3 =	simm.s32 $0x0;
	s8 =	sshrl.u32 s0, $0x1;
	s6 =	smul.u32 $0x3200, s4  }
0xb: {  	[smem:$0x7FF] =	sst s3;
	s9 =	smul.u32 $0x640, s4;
	s0 =	ssub.s32 s0, s8  }
0xc: {  	_ =	strace $0x80000047;
	s11 =	smax.u32 s0, $0x1;
	s7 =	sadd.s32 s5, s1  }
0xd: {  	s28 =	sshrl.u32 s6, $0x3;
	s6 =	sadd.s32 $0xA00, s7;
	s7 =	sadd.s32 s2, s9  }
0xe: {  	s5 =	sadd.s32 $0xF42E00, s1;
	s1 =	sadd.s32 s2, s28;
	s8 =	sadd.s32 $0x640, s7  }
0xf: {  	s9 =	sadd.s32 $0x31380, s1;
	s10 =	sadd.s32 $0x319C0, s1;
	s1 =	simm.s32 $0x0  }
.LBB2_1:
0x10: {  	[tilespmem:s3], [sflag:$0x5] =	stream.linear.gather [hbm4b:s6+s3], $0x6400, $0x38;
	[tilespmem:$0x12C00] =	vst v63  }
0x11: {  	_ =	swait.ge [sflag:s12], $0x6400  }
0x12: {  	[sflag:s12] =	ssyncset.done $0x0  }
0x13: {  	[sflag:s12] =	ssyncadd.s32 $0xFFFF9C00  }
0x14: {  	[tilespmem:s14], [sflag:$0x1] =	stream.indirect.gather [hbm4b:s5+s13], $0x40, s3, s13, $0xb8;
	[tilespmem:$0x12C00] =	vst v63  }
0x15: {  	_ = 	snop  }
0x16: {  	[tilespmem:s16], [sflag:$0x1] =	stream.indirect.gather [hbm4b:s5+s15], $0x40, s13, s15, $0xb8;
	[tilespmem:$0x12C00] =	vst v63  }
0x17: {  	s0 =	simm.s32 $0xC8  }
0x18: {  	[tilespmem:s18], [sflag:$0x2] =	stream.indirect.gather [hbm4b:s5+s13], $0x40, s0, s13, $0xb8;
	[tilespmem:$0x12C00] =	vst v63  }
0x19: {  	s28 =	simm.s32 $0x148  }
0x1a: {  	[tilespmem:s20], [sflag:$0x2] =	stream.indirect.gather [hbm4b:s5+s15], $0x40, s28, s15, $0xb8;
	[tilespmem:$0x12C00] =	vst v63  }
0x1b: {  	_ =	swait.ge [sflag:s21], $0x2000  }
0x1c: {  	[sflag:s21] =	ssyncset.done $0x0  }
0x1d: {  	[sflag:s21] =	ssyncadd.s32 $0xFFFFE000  }
0x1e: {  	_ =	swait.ge [sflag:s21], $0x1200  }
0x1f: {  	[sflag:s21] =	ssyncset.done $0x0  }
0x20: {  	s19 =	simm.s32 $0x6500;
	[sflag:s21] =	ssyncadd.s32 $0xFFFFEE00  }
0x21: {  	v0 =	vld [tilespmem:s19+$0xC0]  }
0x22: {  	v1 =	vld [tilespmem:s19+$0xFFFFFF40]  }
0x23: {  	v2 =	vld [tilespmem:s19+$0xFFFFFF80]  }
0x24: {  	v3 =	vld [tilespmem:s19+$0xFFFFFFC0]  }
0x25: {  	v4 =	vld [tilespmem:s19+$0x0]  }
0x26: {  	v5 =	vld [tilespmem:s19+$0x40];
	v0 =	vmul.f32 $8.000000000e+00, v0  }
0x27: {  	s0 =	simm.s32 $0xC900;
	v6 =	vld [tilespmem:s19+$0x80];
	v1 =	vmul.f32 $8.000000000e+00, v1  }
0x28: {  	v7 =	vld [tilespmem:s19+$0xFFFFFF00];
	v2 =	vmul.f32 $8.000000000e+00, v2;
	[tilespmem:s0+$0xC0] =	vst v0  }
0x29: {  	[tilespmem:s0+$0xFFFFFF40] =	vst v1;
	v0 =	vmul.f32 $8.000000000e+00, v3;
	v1 =	vld [tilespmem:s19+$0xD0]  }
0x2a: {  	[tilespmem:s0+$0xFFFFFF80] =	vst v2;
	v2 =	vmul.f32 $8.000000000e+00, v4;
	v3 =	vld [tilespmem:s19+$0xFFFFFF50]  }
0x2b: {  	v4 =	vld [tilespmem:s19+$0xFFFFFF90];
	[tilespmem:s0+$0xFFFFFFC0] =	vst v0;
	v0 =	vmul.f32 $8.000000000e+00, v5  }
0x2c: {  	[tilespmem:s0+$0x0] =	vst v2;
	v2 =	vmul.f32 $8.000000000e+00, v6;
	v5 =	vld [tilespmem:s19+$0xFFFFFFD0]  }
0x2d: {  	v6 =	vmul.f32 $8.000000000e+00, v7;
	v7 =	vld [tilespmem:s19+$0x10];
	[tilespmem:s0+$0x40] =	vst v0  }
0x2e: {  	[tilespmem:s0+$0x80] =	vst v2;
	v0 =	vld [tilespmem:s19+$0x50];
	v1 =	vmul.f32 $8.000000000e+00, v1  }
0x2f: {  	[tilespmem:s0+$0xFFFFFF00] =	vst v6;
	v2 =	vmul.f32 $8.000000000e+00, v3;
	v3 =	vld [tilespmem:s19+$0x90]  }
0x30: {  	v6 =	vld [tilespmem:s19+$0xFFFFFF10];
	v4 =	vmul.f32 $8.000000000e+00, v4;
	[tilespmem:s0+$0xD0] =	vst v1  }
0x31: {  	[tilespmem:s0+$0xFFFFFF50] =	vst v2;
	v1 =	vmul.f32 $8.000000000e+00, v5;
	v2 =	vld [tilespmem:s19+$0xE0]  }
0x32: {  	[tilespmem:s0+$0xFFFFFF90] =	vst v4;
	v4 =	vmul.f32 $8.000000000e+00, v7;
	v5 =	vld [tilespmem:s19+$0xFFFFFF60]  }
0x33: {  	v7 =	vld [tilespmem:s19+$0xFFFFFFA0];
	[tilespmem:s0+$0xFFFFFFD0] =	vst v1;
	v0 =	vmul.f32 $8.000000000e+00, v0  }
0x34: {  	[tilespmem:s0+$0x10] =	vst v4;
	v1 =	vld [tilespmem:s19+$0xFFFFFFE0];
	v3 =	vmul.f32 $8.000000000e+00, v3  }
0x35: {  	v4 =	vmul.f32 $8.000000000e+00, v6;
	v6 =	vld [tilespmem:s19+$0x20];
	[tilespmem:s0+$0x50] =	vst v0  }
0x36: {  	v0 =	vld [tilespmem:s19+$0x60];
	[tilespmem:s0+$0x90] =	vst v3;
	v2 =	vmul.f32 $8.000000000e+00, v2  }
0x37: {  	[tilespmem:s0+$0xFFFFFF10] =	vst v4;
	v3 =	vmul.f32 $8.000000000e+00, v5;
	v4 =	vld [tilespmem:s19+$0xA0]  }
0x38: {  	v5 =	vld [tilespmem:s19+$0xFFFFFF20];
	v7 =	vmul.f32 $8.000000000e+00, v7;
	[tilespmem:s0+$0xE0] =	vst v2  }
0x39: {  	[tilespmem:s0+$0xFFFFFF60] =	vst v3;
	v1 =	vmul.f32 $8.000000000e+00, v1;
	v3 =	vld [tilespmem:s19+$0xF0]  }
0x3a: {  	[tilespmem:s0+$0xFFFFFFA0] =	vst v7;
	v2 =	vmul.f32 $8.000000000e+00, v6;
	v8 =	vld [tilespmem:s19+$0xFFFFFF70]  }
0x3b: {  	v7 =	vld [tilespmem:s19+$0xFFFFFFB0];
	[tilespmem:s0+$0xFFFFFFE0] =	vst v1;
	v1 =	vmul.f32 $8.000000000e+00, v0  }
0x3c: {  	[tilespmem:s0+$0x20] =	vst v2;
	v0 =	vld [tilespmem:s19+$0xFFFFFFF0];
	v4 =	vmul.f32 $8.000000000e+00, v4  }
0x3d: {  	v5 =	vmul.f32 $8.000000000e+00, v5;
	v2 =	vld [tilespmem:s19+$0x30];
	[tilespmem:s0+$0x60] =	vst v1  }
0x3e: {  	v1 =	vld [tilespmem:s19+$0x70];
	[tilespmem:s0+$0xA0] =	vst v4;
	v9 =	vmul.f32 $8.000000000e+00, v3  }
0x3f: {  	[tilespmem:s0+$0xFFFFFF20] =	vst v5;
	v3 =	vld [tilespmem:s19+$0xB0];
	v6 =	vmul.f32 $8.000000000e+00, v8  }
0x40: {  	s17 =	simm.s32 $0x0;
	v4 =	vld [tilespmem:s19+$0xFFFFFF30];
	v5 =	vmul.f32 $8.000000000e+00, v7;
	s19 =	simm.s32 $0x6700;
	[tilespmem:s0+$0xF0] =	vst v9  }
.LBB2_2:
0x41: {  	v7 =	vld [tilespmem:s19+$0xC0];
	s17 =	sadd.s32 $0x8, s17;
	[tilespmem:s0+$0xFFFFFF70] =	vst v6;
	v0 =	vmul.f32 $8.000000000e+00, v0  }
0x42: {  	v6 =	vld [tilespmem:s19+$0xFFFFFF40];
	p0 =	slt.u32 s17, $0xC0;
	[tilespmem:s0+$0xFFFFFFB0] =	vst v5;
	v2 =	vmul.f32 $8.000000000e+00, v2  }
0x43: {  	v5 =	vld [tilespmem:s19+$0xFFFFFF80];
	[tilespmem:s0+$0xFFFFFFF0] =	vst v0;
	v0 =	vmul.f32 $8.000000000e+00, v1  }
0x44: {  	v1 =	vld [tilespmem:s19+$0xFFFFFFC0];
	[tilespmem:s0+$0x30] =	vst v2;
	v2 =	vmul.f32 $8.000000000e+00, v3  }
0x45: {  	v3 =	vld [tilespmem:s19+$0x0];
	v4 =	vmul.f32 $8.000000000e+00, v4;
	[tilespmem:s0+$0x70] =	vst v0  }
0x46: {  	v0 =	vld [tilespmem:s19+$0x40];
	v7 =	vmul.f32 $8.000000000e+00, v7;
	[tilespmem:s0+$0xB0] =	vst v2  }
0x47: {  	v2 =	vmul.f32 $8.000000000e+00, v6;
	v6 =	vld [tilespmem:s19+$0x80];
	[tilespmem:s0+$0xFFFFFF30] =	vst v4;
	s0 =	sadd.s32 $0x200, s0  }
0x48: {  	v4 =	vld [tilespmem:s19+$0xFFFFFF00];
	v5 =	vmul.f32 $8.000000000e+00, v5;
	[tilespmem:s0+$0xC0] =	vst v7  }
0x49: {  	[tilespmem:s0+$0xFFFFFF40] =	vst v2;
	v1 =	vmul.f32 $8.000000000e+00, v1;
	v2 =	vld [tilespmem:s19+$0xD0]  }
0x4a: {  	v7 =	vld [tilespmem:s19+$0xFFFFFF50];
	[tilespmem:s0+$0xFFFFFF80] =	vst v5;
	v3 =	vmul.f32 $8.000000000e+00, v3  }
0x4b: {  	v5 =	vld [tilespmem:s19+$0xFFFFFF90];
	[tilespmem:s0+$0xFFFFFFC0] =	vst v1;
	v0 =	vmul.f32 $8.000000000e+00, v0  }
0x4c: {  	v1 =	vld [tilespmem:s19+$0xFFFFFFD0];
	[tilespmem:s0+$0x0] =	vst v3;
	v3 =	vmul.f32 $8.000000000e+00, v6  }
0x4d: {  	v4 =	vmul.f32 $8.000000000e+00, v4;
	v6 =	vld [tilespmem:s19+$0x10];
	[tilespmem:s0+$0x40] =	vst v0  }
0x4e: {  	v0 =	vld [tilespmem:s19+$0x50];
	[tilespmem:s0+$0x80] =	vst v3;
	v2 =	vmul.f32 $8.000000000e+00, v2  }
0x4f: {  	[tilespmem:s0+$0xFFFFFF00] =	vst v4;
	v3 =	vmul.f32 $8.000000000e+00, v7;
	v4 =	vld [tilespmem:s19+$0x90]  }
0x50: {  	v7 =	vld [tilespmem:s19+$0xFFFFFF10];
	v5 =	vmul.f32 $8.000000000e+00, v5;
	[tilespmem:s0+$0xD0] =	vst v2  }
0x51: {  	[tilespmem:s0+$0xFFFFFF50] =	vst v3;
	v1 =	vmul.f32 $8.000000000e+00, v1;
	v2 =	vld [tilespmem:s19+$0xE0]  }
0x52: {  	v3 =	vld [tilespmem:s19+$0xFFFFFF60];
	[tilespmem:s0+$0xFFFFFF90] =	vst v5;
	v5 =	vmul.f32 $8.000000000e+00, v6  }
0x53: {  	v6 =	vld [tilespmem:s19+$0xFFFFFFA0];
	[tilespmem:s0+$0xFFFFFFD0] =	vst v1;
	v0 =	vmul.f32 $8.000000000e+00, v0  }
0x54: {  	v1 =	vld [tilespmem:s19+$0xFFFFFFE0];
	[tilespmem:s0+$0x10] =	vst v5;
	v4 =	vmul.f32 $8.000000000e+00, v4  }
0x55: {  	v5 =	vmul.f32 $8.000000000e+00, v7;
	v7 =	vld [tilespmem:s19+$0x20];
	[tilespmem:s0+$0x50] =	vst v0  }
0x56: {  	v0 =	vld [tilespmem:s19+$0x60];
	[tilespmem:s0+$0x90] =	vst v4;
	v2 =	vmul.f32 $8.000000000e+00, v2  }
0x57: {  	[tilespmem:s0+$0xFFFFFF10] =	vst v5;
	v3 =	vmul.f32 $8.000000000e+00, v3;
	v4 =	vld [tilespmem:s19+$0xA0]  }
0x58: {  	v5 =	vld [tilespmem:s19+$0xFFFFFF20];
	v6 =	vmul.f32 $8.000000000e+00, v6;
	[tilespmem:s0+$0xE0] =	vst v2  }
0x59: {  	[tilespmem:s0+$0xFFFFFF60] =	vst v3;
	v1 =	vmul.f32 $8.000000000e+00, v1;
	v3 =	vld [tilespmem:s19+$0xF0]  }
0x5a: {  	v8 =	vld [tilespmem:s19+$0xFFFFFF70];
	[tilespmem:s0+$0xFFFFFFA0] =	vst v6;
	v2 =	vmul.f32 $8.000000000e+00, v7  }
0x5b: {  	v7 =	vld [tilespmem:s19+$0xFFFFFFB0];
	[tilespmem:s0+$0xFFFFFFE0] =	vst v1;
	v1 =	vmul.f32 $8.000000000e+00, v0  }
.Ltmp0:
0x5c: {  	v0 =	vld [tilespmem:s19+$0xFFFFFFF0];
	[tilespmem:s0+$0x20] =	vst v2;
	v4 =	vmul.f32 $8.000000000e+00, v4;
	(pc) =	sbr.rel @p0 .LBB2_2-.Ltmp0, $4  }
0x5d: {  	v5 =	vmul.f32 $8.000000000e+00, v5;
	v2 =	vld [tilespmem:s19+$0x30];
	[tilespmem:s0+$0x60] =	vst v1  }
0x5e: {  	v1 =	vld [tilespmem:s19+$0x70];
	[tilespmem:s0+$0xA0] =	vst v4;
	v9 =	vmul.f32 $8.000000000e+00, v3  }
0x5f: {  	[tilespmem:s0+$0xFFFFFF20] =	vst v5;
	v6 =	vmul.f32 $8.000000000e+00, v8;
	v3 =	vld [tilespmem:s19+$0xB0]  }
0x60: {  	v4 =	vld [tilespmem:s19+$0xFFFFFF30];
	v5 =	vmul.f32 $8.000000000e+00, v7;
	[tilespmem:s0+$0xF0] =	vst v9;
	s19 =	sadd.s32 $0x200, s19  }
0x61: {  	[tilespmem:s0+$0xFFFFFF70] =	vst v6;
	v0 =	vmul.f32 $8.000000000e+00, v0  }
0x62: {  	[tilespmem:s0+$0xFFFFFFB0] =	vst v5;
	v2 =	vmul.f32 $8.000000000e+00, v2  }
0x63: {  	[tilespmem:s0+$0xFFFFFFF0] =	vst v0;
	v0 =	vmul.f32 $8.000000000e+00, v1  }
0x64: {  	[tilespmem:s0+$0x30] =	vst v2;
	v1 =	vmul.f32 $8.000000000e+00, v3  }
0x65: {  	v2 =	vmul.f32 $8.000000000e+00, v4;
	[tilespmem:s0+$0x70] =	vst v0  }
0x66: {  	[tilespmem:s0+$0xB0] =	vst v1  }
0x67: {  	[tilespmem:s0+$0xFFFFFF30] =	vst v2  }
0x68: {  	[hbm4b:s7+s3] =	stream.linear.scatter [tilespmem:s22], [sflag:$0x3], $0x3200, $0x38;
	[tilespmem:$0x12C00] =	vst v63  }
0x69: {  	s24 =	simm.s32 $0x190  }
0x6a: {  	[tilespmem:s14], [sflag:$0x1] =	stream.indirect.gather [hbm4b:s5+s13], $0x40, s24, s13, $0xb8;
	[tilespmem:$0x12C00] =	vst v63  }
0x6b: {  	s28 =	simm.s32 $0x210  }
0x6c: {  	[tilespmem:s16], [sflag:$0x1] =	stream.indirect.gather [hbm4b:s5+s15], $0x40, s28, s15, $0xb8;
	[tilespmem:$0x12C00] =	vst v63  }
0x6d: {  	_ =	swait.ge [sflag:s25], $0x2000  }
0x6e: {  	[sflag:s25] =	ssyncset.done $0x0  }
0x6f: {  	[sflag:s25] =	ssyncadd.s32 $0xFFFFE000  }
0x70: {  	_ =	swait.ge [sflag:s25], $0x1200  }
0x71: {  	[sflag:s25] =	ssyncset.done $0x0  }
0x72: {  	s19 =	simm.s32 $0x9700;
	[sflag:s25] =	ssyncadd.s32 $0xFFFFEE00  }
0x73: {  	v0 =	vld [tilespmem:s19+$0xC0]  }
0x74: {  	v1 =	vld [tilespmem:s19+$0xFFFFFF40]  }
0x75: {  	v2 =	vld [tilespmem:s19+$0xFFFFFF80]  }
0x76: {  	v3 =	vld [tilespmem:s19+$0xFFFFFFC0]  }
0x77: {  	v4 =	vld [tilespmem:s19+$0x0]  }
0x78: {  	v5 =	vld [tilespmem:s19+$0x40];
	v0 =	vmul.f32 $8.000000000e+00, v0  }
0x79: {  	s0 =	simm.s32 $0xFB00;
	v6 =	vld [tilespmem:s19+$0x80];
	v1 =	vmul.f32 $8.000000000e+00, v1  }
0x7a: {  	v7 =	vld [tilespmem:s19+$0xFFFFFF00];
	v2 =	vmul.f32 $8.000000000e+00, v2;
	[tilespmem:s0+$0xC0] =	vst v0  }
0x7b: {  	[tilespmem:s0+$0xFFFFFF40] =	vst v1;
	v0 =	vmul.f32 $8.000000000e+00, v3;
	v1 =	vld [tilespmem:s19+$0xD0]  }
0x7c: {  	[tilespmem:s0+$0xFFFFFF80] =	vst v2;
	v2 =	vmul.f32 $8.000000000e+00, v4;
	v3 =	vld [tilespmem:s19+$0xFFFFFF50]  }
0x7d: {  	v4 =	vld [tilespmem:s19+$0xFFFFFF90];
	[tilespmem:s0+$0xFFFFFFC0] =	vst v0;
	v0 =	vmul.f32 $8.000000000e+00, v5  }
0x7e: {  	[tilespmem:s0+$0x0] =	vst v2;
	v2 =	vmul.f32 $8.000000000e+00, v6;
	v5 =	vld [tilespmem:s19+$0xFFFFFFD0]  }
0x7f: {  	v6 =	vmul.f32 $8.000000000e+00, v7;
	v7 =	vld [tilespmem:s19+$0x10];
	[tilespmem:s0+$0x40] =	vst v0  }
0x80: {  	[tilespmem:s0+$0x80] =	vst v2;
	v0 =	vld [tilespmem:s19+$0x50];
	v1 =	vmul.f32 $8.000000000e+00, v1  }
0x81: {  	[tilespmem:s0+$0xFFFFFF00] =	vst v6;
	v2 =	vmul.f32 $8.000000000e+00, v3;
	v3 =	vld [tilespmem:s19+$0x90]  }
0x82: {  	v6 =	vld [tilespmem:s19+$0xFFFFFF10];
	v4 =	vmul.f32 $8.000000000e+00, v4;
	[tilespmem:s0+$0xD0] =	vst v1  }
0x83: {  	[tilespmem:s0+$0xFFFFFF50] =	vst v2;
	v1 =	vmul.f32 $8.000000000e+00, v5;
	v2 =	vld [tilespmem:s19+$0xE0]  }
0x84: {  	[tilespmem:s0+$0xFFFFFF90] =	vst v4;
	v4 =	vmul.f32 $8.000000000e+00, v7;
	v5 =	vld [tilespmem:s19+$0xFFFFFF60]  }
0x85: {  	v7 =	vld [tilespmem:s19+$0xFFFFFFA0];
	[tilespmem:s0+$0xFFFFFFD0] =	vst v1;
	v0 =	vmul.f32 $8.000000000e+00, v0  }
0x86: {  	[tilespmem:s0+$0x10] =	vst v4;
	v1 =	vld [tilespmem:s19+$0xFFFFFFE0];
	v3 =	vmul.f32 $8.000000000e+00, v3  }
0x87: {  	v4 =	vmul.f32 $8.000000000e+00, v6;
	v6 =	vld [tilespmem:s19+$0x20];
	[tilespmem:s0+$0x50] =	vst v0  }
0x88: {  	v0 =	vld [tilespmem:s19+$0x60];
	[tilespmem:s0+$0x90] =	vst v3;
	v2 =	vmul.f32 $8.000000000e+00, v2  }
0x89: {  	[tilespmem:s0+$0xFFFFFF10] =	vst v4;
	v3 =	vmul.f32 $8.000000000e+00, v5;
	v4 =	vld [tilespmem:s19+$0xA0]  }
0x8a: {  	v5 =	vld [tilespmem:s19+$0xFFFFFF20];
	v7 =	vmul.f32 $8.000000000e+00, v7;
	[tilespmem:s0+$0xE0] =	vst v2  }
0x8b: {  	[tilespmem:s0+$0xFFFFFF60] =	vst v3;
	v1 =	vmul.f32 $8.000000000e+00, v1;
	v3 =	vld [tilespmem:s19+$0xF0]  }
0x8c: {  	[tilespmem:s0+$0xFFFFFFA0] =	vst v7;
	v2 =	vmul.f32 $8.000000000e+00, v6;
	v8 =	vld [tilespmem:s19+$0xFFFFFF70]  }
0x8d: {  	v7 =	vld [tilespmem:s19+$0xFFFFFFB0];
	[tilespmem:s0+$0xFFFFFFE0] =	vst v1;
	v1 =	vmul.f32 $8.000000000e+00, v0  }
0x8e: {  	[tilespmem:s0+$0x20] =	vst v2;
	v0 =	vld [tilespmem:s19+$0xFFFFFFF0];
	v4 =	vmul.f32 $8.000000000e+00, v4  }
0x8f: {  	v5 =	vmul.f32 $8.000000000e+00, v5;
	v2 =	vld [tilespmem:s19+$0x30];
	[tilespmem:s0+$0x60] =	vst v1  }
0x90: {  	v1 =	vld [tilespmem:s19+$0x70];
	[tilespmem:s0+$0xA0] =	vst v4;
	v9 =	vmul.f32 $8.000000000e+00, v3  }
0x91: {  	[tilespmem:s0+$0xFFFFFF20] =	vst v5;
	v3 =	vld [tilespmem:s19+$0xB0];
	v6 =	vmul.f32 $8.000000000e+00, v8  }
0x92: {  	s17 =	simm.s32 $0x0;
	v4 =	vld [tilespmem:s19+$0xFFFFFF30];
	v5 =	vmul.f32 $8.000000000e+00, v7;
	s19 =	simm.s32 $0x9900;
	[tilespmem:s0+$0xF0] =	vst v9  }
.LBB2_4:
0x93: {  	v7 =	vld [tilespmem:s19+$0xC0];
	s17 =	sadd.s32 $0x8, s17;
	[tilespmem:s0+$0xFFFFFF70] =	vst v6;
	v0 =	vmul.f32 $8.000000000e+00, v0  }
0x94: {  	v6 =	vld [tilespmem:s19+$0xFFFFFF40];
	p0 =	slt.u32 s17, $0xC0;
	[tilespmem:s0+$0xFFFFFFB0] =	vst v5;
	v2 =	vmul.f32 $8.000000000e+00, v2  }
0x95: {  	v5 =	vld [tilespmem:s19+$0xFFFFFF80];
	[tilespmem:s0+$0xFFFFFFF0] =	vst v0;
	v0 =	vmul.f32 $8.000000000e+00, v1  }
0x96: {  	v1 =	vld [tilespmem:s19+$0xFFFFFFC0];
	[tilespmem:s0+$0x30] =	vst v2;
	v2 =	vmul.f32 $8.000000000e+00, v3  }
0x97: {  	v3 =	vld [tilespmem:s19+$0x0];
	v4 =	vmul.f32 $8.000000000e+00, v4;
	[tilespmem:s0+$0x70] =	vst v0  }
0x98: {  	v0 =	vld [tilespmem:s19+$0x40];
	v7 =	vmul.f32 $8.000000000e+00, v7;
	[tilespmem:s0+$0xB0] =	vst v2  }
0x99: {  	v2 =	vmul.f32 $8.000000000e+00, v6;
	v6 =	vld [tilespmem:s19+$0x80];
	[tilespmem:s0+$0xFFFFFF30] =	vst v4;
	s0 =	sadd.s32 $0x200, s0  }
0x9a: {  	v4 =	vld [tilespmem:s19+$0xFFFFFF00];
	v5 =	vmul.f32 $8.000000000e+00, v5;
	[tilespmem:s0+$0xC0] =	vst v7  }
0x9b: {  	[tilespmem:s0+$0xFFFFFF40] =	vst v2;
	v1 =	vmul.f32 $8.000000000e+00, v1;
	v2 =	vld [tilespmem:s19+$0xD0]  }
0x9c: {  	v7 =	vld [tilespmem:s19+$0xFFFFFF50];
	[tilespmem:s0+$0xFFFFFF80] =	vst v5;
	v3 =	vmul.f32 $8.000000000e+00, v3  }
0x9d: {  	v5 =	vld [tilespmem:s19+$0xFFFFFF90];
	[tilespmem:s0+$0xFFFFFFC0] =	vst v1;
	v0 =	vmul.f32 $8.000000000e+00, v0  }
0x9e: {  	v1 =	vld [tilespmem:s19+$0xFFFFFFD0];
	[tilespmem:s0+$0x0] =	vst v3;
	v3 =	vmul.f32 $8.000000000e+00, v6  }
0x9f: {  	v4 =	vmul.f32 $8.000000000e+00, v4;
	v6 =	vld [tilespmem:s19+$0x10];
	[tilespmem:s0+$0x40] =	vst v0  }
0xa0: {  	v0 =	vld [tilespmem:s19+$0x50];
	[tilespmem:s0+$0x80] =	vst v3;
	v2 =	vmul.f32 $8.000000000e+00, v2  }
0xa1: {  	[tilespmem:s0+$0xFFFFFF00] =	vst v4;
	v3 =	vmul.f32 $8.000000000e+00, v7;
	v4 =	vld [tilespmem:s19+$0x90]  }
0xa2: {  	v7 =	vld [tilespmem:s19+$0xFFFFFF10];
	v5 =	vmul.f32 $8.000000000e+00, v5;
	[tilespmem:s0+$0xD0] =	vst v2  }
0xa3: {  	[tilespmem:s0+$0xFFFFFF50] =	vst v3;
	v1 =	vmul.f32 $8.000000000e+00, v1;
	v2 =	vld [tilespmem:s19+$0xE0]  }
0xa4: {  	v3 =	vld [tilespmem:s19+$0xFFFFFF60];
	[tilespmem:s0+$0xFFFFFF90] =	vst v5;
	v5 =	vmul.f32 $8.000000000e+00, v6  }
0xa5: {  	v6 =	vld [tilespmem:s19+$0xFFFFFFA0];
	[tilespmem:s0+$0xFFFFFFD0] =	vst v1;
	v0 =	vmul.f32 $8.000000000e+00, v0  }
0xa6: {  	v1 =	vld [tilespmem:s19+$0xFFFFFFE0];
	[tilespmem:s0+$0x10] =	vst v5;
	v4 =	vmul.f32 $8.000000000e+00, v4  }
0xa7: {  	v5 =	vmul.f32 $8.000000000e+00, v7;
	v7 =	vld [tilespmem:s19+$0x20];
	[tilespmem:s0+$0x50] =	vst v0  }
0xa8: {  	v0 =	vld [tilespmem:s19+$0x60];
	[tilespmem:s0+$0x90] =	vst v4;
	v2 =	vmul.f32 $8.000000000e+00, v2  }
0xa9: {  	[tilespmem:s0+$0xFFFFFF10] =	vst v5;
	v3 =	vmul.f32 $8.000000000e+00, v3;
	v4 =	vld [tilespmem:s19+$0xA0]  }
0xaa: {  	v5 =	vld [tilespmem:s19+$0xFFFFFF20];
	v6 =	vmul.f32 $8.000000000e+00, v6;
	[tilespmem:s0+$0xE0] =	vst v2  }
0xab: {  	[tilespmem:s0+$0xFFFFFF60] =	vst v3;
	v1 =	vmul.f32 $8.000000000e+00, v1;
	v3 =	vld [tilespmem:s19+$0xF0]  }
0xac: {  	v8 =	vld [tilespmem:s19+$0xFFFFFF70];
	[tilespmem:s0+$0xFFFFFFA0] =	vst v6;
	v2 =	vmul.f32 $8.000000000e+00, v7  }
0xad: {  	v7 =	vld [tilespmem:s19+$0xFFFFFFB0];
	[tilespmem:s0+$0xFFFFFFE0] =	vst v1;
	v1 =	vmul.f32 $8.000000000e+00, v0  }
.Ltmp1:
0xae: {  	v0 =	vld [tilespmem:s19+$0xFFFFFFF0];
	[tilespmem:s0+$0x20] =	vst v2;
	v4 =	vmul.f32 $8.000000000e+00, v4;
	(pc) =	sbr.rel @p0 .LBB2_4-.Ltmp1, $4  }
0xaf: {  	v5 =	vmul.f32 $8.000000000e+00, v5;
	v2 =	vld [tilespmem:s19+$0x30];
	[tilespmem:s0+$0x60] =	vst v1  }
0xb0: {  	v1 =	vld [tilespmem:s19+$0x70];
	[tilespmem:s0+$0xA0] =	vst v4;
	v9 =	vmul.f32 $8.000000000e+00, v3  }
0xb1: {  	[tilespmem:s0+$0xFFFFFF20] =	vst v5;
	v6 =	vmul.f32 $8.000000000e+00, v8;
	v3 =	vld [tilespmem:s19+$0xB0]  }
0xb2: {  	v4 =	vld [tilespmem:s19+$0xFFFFFF30];
	v5 =	vmul.f32 $8.000000000e+00, v7;
	[tilespmem:s0+$0xF0] =	vst v9;
	s19 =	sadd.s32 $0x200, s19  }
0xb3: {  	[tilespmem:s0+$0xFFFFFF70] =	vst v6;
	v0 =	vmul.f32 $8.000000000e+00, v0  }
0xb4: {  	[tilespmem:s0+$0xFFFFFFB0] =	vst v5;
	v2 =	vmul.f32 $8.000000000e+00, v2  }
0xb5: {  	[tilespmem:s0+$0xFFFFFFF0] =	vst v0;
	v61 =	vmul.f32 $8.000000000e+00, v1  }
0xb6: {  	[tilespmem:s0+$0x30] =	vst v2;
	v62 =	vmul.f32 $8.000000000e+00, v3  }
0xb7: {  	v63 =	vmul.f32 $8.000000000e+00, v4;
	[tilespmem:s0+$0x70] =	vst v61  }
0xb8: {  	[tilespmem:s0+$0xB0] =	vst v62  }
0xb9: {  	[tilespmem:s0+$0xFFFFFF30] =	vst v63  }
0xba: {  	[hbm4b:s8+s3] =	stream.linear.scatter [tilespmem:s26], [sflag:$0x4], $0x3200, $0x38;
	[tilespmem:$0x12C00] =	vst v63  }
0xbb: {  	s28 =	simm.s32 $0x258  }
0xbc: {  	[tilespmem:s18], [sflag:$0x2] =	stream.indirect.gather [hbm4b:s5+s13], $0x40, s28, s13, $0xb8;
	[tilespmem:$0x12C00] =	vst v63  }
0xbd: {  	s0 =	simm.s32 $0x1  }
0xbe: {  	[tilespmem:s20], [sflag:$0x2] =	stream.indirect.gather [hbm4b:s5+s15], $0x40, s29, s15, $0xb8;
	[tilespmem:$0x12C00] =	vst v63  }
.LBB2_6:
0xbf: {  	_ =	swait.ge [sflag:s21], $0x2000  }
0xc0: {  	[sflag:s21] =	ssyncset.done $0x0  }
0xc1: {  	[sflag:s21] =	ssyncadd.s32 $0xFFFFE000  }
0xc2: {  	_ =	swait.ge [sflag:s21], $0x1200  }
0xc3: {  	[sflag:s21] =	ssyncset.done $0x0  }
0xc4: {  	[sflag:s21] =	ssyncadd.s32 $0xFFFFEE00  }
0xc5: {  	_ =	swait.ge [sflag:s30], $0x3200  }
0xc6: {  	[sflag:s30] =	ssyncset.done $0x0  }
0xc7: {  	s23 =	simm.s32 $0x6500;
	[sflag:s30] =	ssyncadd.s32 $0xFFFFCE00  }
0xc8: {  	v0 =	vld [tilespmem:s23+$0xC0]  }
0xc9: {  	v1 =	vld [tilespmem:s23+$0xFFFFFF40]  }
0xca: {  	v2 =	vld [tilespmem:s23+$0xFFFFFF80]  }
0xcb: {  	v3 =	vld [tilespmem:s23+$0xFFFFFFC0]  }
0xcc: {  	v4 =	vld [tilespmem:s23+$0x0]  }
0xcd: {  	v5 =	vld [tilespmem:s23+$0x40];
	v0 =	vmul.f32 $8.000000000e+00, v0  }
0xce: {  	s17 =	simm.s32 $0xC900;
	v6 =	vld [tilespmem:s23+$0x80];
	v1 =	vmul.f32 $8.000000000e+00, v1  }
0xcf: {  	v7 =	vld [tilespmem:s23+$0xFFFFFF00];
	v2 =	vmul.f32 $8.000000000e+00, v2;
	[tilespmem:s17+$0xC0] =	vst v0  }
0xd0: {  	[tilespmem:s17+$0xFFFFFF40] =	vst v1;
	v0 =	vmul.f32 $8.000000000e+00, v3;
	v1 =	vld [tilespmem:s23+$0xD0]  }
0xd1: {  	[tilespmem:s17+$0xFFFFFF80] =	vst v2;
	v2 =	vmul.f32 $8.000000000e+00, v4;
	v3 =	vld [tilespmem:s23+$0xFFFFFF50]  }
0xd2: {  	v4 =	vld [tilespmem:s23+$0xFFFFFF90];
	[tilespmem:s17+$0xFFFFFFC0] =	vst v0;
	v0 =	vmul.f32 $8.000000000e+00, v5  }
0xd3: {  	[tilespmem:s17+$0x0] =	vst v2;
	v2 =	vmul.f32 $8.000000000e+00, v6;
	v5 =	vld [tilespmem:s23+$0xFFFFFFD0]  }
0xd4: {  	v6 =	vmul.f32 $8.000000000e+00, v7;
	v7 =	vld [tilespmem:s23+$0x10];
	[tilespmem:s17+$0x40] =	vst v0  }
0xd5: {  	[tilespmem:s17+$0x80] =	vst v2;
	v0 =	vld [tilespmem:s23+$0x50];
	v1 =	vmul.f32 $8.000000000e+00, v1  }
0xd6: {  	[tilespmem:s17+$0xFFFFFF00] =	vst v6;
	v2 =	vmul.f32 $8.000000000e+00, v3;
	v3 =	vld [tilespmem:s23+$0x90]  }
0xd7: {  	v6 =	vld [tilespmem:s23+$0xFFFFFF10];
	v4 =	vmul.f32 $8.000000000e+00, v4;
	[tilespmem:s17+$0xD0] =	vst v1  }
0xd8: {  	[tilespmem:s17+$0xFFFFFF50] =	vst v2;
	v1 =	vmul.f32 $8.000000000e+00, v5;
	v2 =	vld [tilespmem:s23+$0xE0]  }
0xd9: {  	[tilespmem:s17+$0xFFFFFF90] =	vst v4;
	v4 =	vmul.f32 $8.000000000e+00, v7;
	v5 =	vld [tilespmem:s23+$0xFFFFFF60]  }
0xda: {  	v7 =	vld [tilespmem:s23+$0xFFFFFFA0];
	[tilespmem:s17+$0xFFFFFFD0] =	vst v1;
	v0 =	vmul.f32 $8.000000000e+00, v0  }
0xdb: {  	[tilespmem:s17+$0x10] =	vst v4;
	v1 =	vld [tilespmem:s23+$0xFFFFFFE0];
	v3 =	vmul.f32 $8.000000000e+00, v3  }
0xdc: {  	v4 =	vmul.f32 $8.000000000e+00, v6;
	v6 =	vld [tilespmem:s23+$0x20];
	[tilespmem:s17+$0x50] =	vst v0  }
0xdd: {  	v0 =	vld [tilespmem:s23+$0x60];
	[tilespmem:s17+$0x90] =	vst v3;
	v2 =	vmul.f32 $8.000000000e+00, v2  }
0xde: {  	[tilespmem:s17+$0xFFFFFF10] =	vst v4;
	v3 =	vmul.f32 $8.000000000e+00, v5;
	v4 =	vld [tilespmem:s23+$0xA0]  }
0xdf: {  	v5 =	vld [tilespmem:s23+$0xFFFFFF20];
	v7 =	vmul.f32 $8.000000000e+00, v7;
	[tilespmem:s17+$0xE0] =	vst v2  }
0xe0: {  	[tilespmem:s17+$0xFFFFFF60] =	vst v3;
	v1 =	vmul.f32 $8.000000000e+00, v1;
	v3 =	vld [tilespmem:s23+$0xF0]  }
0xe1: {  	[tilespmem:s17+$0xFFFFFFA0] =	vst v7;
	v2 =	vmul.f32 $8.000000000e+00, v6;
	v8 =	vld [tilespmem:s23+$0xFFFFFF70]  }
0xe2: {  	v7 =	vld [tilespmem:s23+$0xFFFFFFB0];
	[tilespmem:s17+$0xFFFFFFE0] =	vst v1;
	v1 =	vmul.f32 $8.000000000e+00, v0  }
0xe3: {  	[tilespmem:s17+$0x20] =	vst v2;
	v0 =	vld [tilespmem:s23+$0xFFFFFFF0];
	v4 =	vmul.f32 $8.000000000e+00, v4  }
0xe4: {  	v5 =	vmul.f32 $8.000000000e+00, v5;
	v2 =	vld [tilespmem:s23+$0x30];
	[tilespmem:s17+$0x60] =	vst v1  }
0xe5: {  	v1 =	vld [tilespmem:s23+$0x70];
	[tilespmem:s17+$0xA0] =	vst v4;
	v9 =	vmul.f32 $8.000000000e+00, v3  }
0xe6: {  	[tilespmem:s17+$0xFFFFFF20] =	vst v5;
	v3 =	vld [tilespmem:s23+$0xB0];
	v6 =	vmul.f32 $8.000000000e+00, v8  }
0xe7: {  	s19 =	simm.s32 $0x0;
	v4 =	vld [tilespmem:s23+$0xFFFFFF30];
	v5 =	vmul.f32 $8.000000000e+00, v7;
	s23 =	simm.s32 $0x6700;
	[tilespmem:s17+$0xF0] =	vst v9  }
.LBB2_7:
0xe8: {  	v7 =	vld [tilespmem:s23+$0xC0];
	s19 =	sadd.s32 $0x8, s19;
	[tilespmem:s17+$0xFFFFFF70] =	vst v6;
	v0 =	vmul.f32 $8.000000000e+00, v0  }
0xe9: {  	v6 =	vld [tilespmem:s23+$0xFFFFFF40];
	p0 =	slt.u32 s19, $0xC0;
	[tilespmem:s17+$0xFFFFFFB0] =	vst v5;
	v2 =	vmul.f32 $8.000000000e+00, v2  }
0xea: {  	v5 =	vld [tilespmem:s23+$0xFFFFFF80];
	[tilespmem:s17+$0xFFFFFFF0] =	vst v0;
	v0 =	vmul.f32 $8.000000000e+00, v1  }
0xeb: {  	v1 =	vld [tilespmem:s23+$0xFFFFFFC0];
	[tilespmem:s17+$0x30] =	vst v2;
	v2 =	vmul.f32 $8.000000000e+00, v3  }
0xec: {  	v3 =	vld [tilespmem:s23+$0x0];
	v4 =	vmul.f32 $8.000000000e+00, v4;
	[tilespmem:s17+$0x70] =	vst v0  }
0xed: {  	v0 =	vld [tilespmem:s23+$0x40];
	v7 =	vmul.f32 $8.000000000e+00, v7;
	[tilespmem:s17+$0xB0] =	vst v2  }
0xee: {  	v2 =	vmul.f32 $8.000000000e+00, v6;
	v6 =	vld [tilespmem:s23+$0x80];
	[tilespmem:s17+$0xFFFFFF30] =	vst v4;
	s17 =	sadd.s32 $0x200, s17  }
0xef: {  	v4 =	vld [tilespmem:s23+$0xFFFFFF00];
	v5 =	vmul.f32 $8.000000000e+00, v5;
	[tilespmem:s17+$0xC0] =	vst v7  }
0xf0: {  	[tilespmem:s17+$0xFFFFFF40] =	vst v2;
	v1 =	vmul.f32 $8.000000000e+00, v1;
	v2 =	vld [tilespmem:s23+$0xD0]  }
0xf1: {  	v7 =	vld [tilespmem:s23+$0xFFFFFF50];
	[tilespmem:s17+$0xFFFFFF80] =	vst v5;
	v3 =	vmul.f32 $8.000000000e+00, v3  }
0xf2: {  	v5 =	vld [tilespmem:s23+$0xFFFFFF90];
	[tilespmem:s17+$0xFFFFFFC0] =	vst v1;
	v0 =	vmul.f32 $8.000000000e+00, v0  }
0xf3: {  	v1 =	vld [tilespmem:s23+$0xFFFFFFD0];
	[tilespmem:s17+$0x0] =	vst v3;
	v3 =	vmul.f32 $8.000000000e+00, v6  }
0xf4: {  	v4 =	vmul.f32 $8.000000000e+00, v4;
	v6 =	vld [tilespmem:s23+$0x10];
	[tilespmem:s17+$0x40] =	vst v0  }
0xf5: {  	v0 =	vld [tilespmem:s23+$0x50];
	[tilespmem:s17+$0x80] =	vst v3;
	v2 =	vmul.f32 $8.000000000e+00, v2  }
0xf6: {  	[tilespmem:s17+$0xFFFFFF00] =	vst v4;
	v3 =	vmul.f32 $8.000000000e+00, v7;
	v4 =	vld [tilespmem:s23+$0x90]  }
0xf7: {  	v7 =	vld [tilespmem:s23+$0xFFFFFF10];
	v5 =	vmul.f32 $8.000000000e+00, v5;
	[tilespmem:s17+$0xD0] =	vst v2  }
0xf8: {  	[tilespmem:s17+$0xFFFFFF50] =	vst v3;
	v1 =	vmul.f32 $8.000000000e+00, v1;
	v2 =	vld [tilespmem:s23+$0xE0]  }
0xf9: {  	v3 =	vld [tilespmem:s23+$0xFFFFFF60];
	[tilespmem:s17+$0xFFFFFF90] =	vst v5;
	v5 =	vmul.f32 $8.000000000e+00, v6  }
0xfa: {  	v6 =	vld [tilespmem:s23+$0xFFFFFFA0];
	[tilespmem:s17+$0xFFFFFFD0] =	vst v1;
	v0 =	vmul.f32 $8.000000000e+00, v0  }
0xfb: {  	v1 =	vld [tilespmem:s23+$0xFFFFFFE0];
	[tilespmem:s17+$0x10] =	vst v5;
	v4 =	vmul.f32 $8.000000000e+00, v4  }
0xfc: {  	v5 =	vmul.f32 $8.000000000e+00, v7;
	v7 =	vld [tilespmem:s23+$0x20];
	[tilespmem:s17+$0x50] =	vst v0  }
0xfd: {  	v0 =	vld [tilespmem:s23+$0x60];
	[tilespmem:s17+$0x90] =	vst v4;
	v2 =	vmul.f32 $8.000000000e+00, v2  }
0xfe: {  	[tilespmem:s17+$0xFFFFFF10] =	vst v5;
	v3 =	vmul.f32 $8.000000000e+00, v3;
	v4 =	vld [tilespmem:s23+$0xA0]  }
0xff: {  	v5 =	vld [tilespmem:s23+$0xFFFFFF20];
	v6 =	vmul.f32 $8.000000000e+00, v6;
	[tilespmem:s17+$0xE0] =	vst v2  }
0x100: {  	[tilespmem:s17+$0xFFFFFF60] =	vst v3;
	v1 =	vmul.f32 $8.000000000e+00, v1;
	v3 =	vld [tilespmem:s23+$0xF0]  }
0x101: {  	v8 =	vld [tilespmem:s23+$0xFFFFFF70];
	[tilespmem:s17+$0xFFFFFFA0] =	vst v6;
	v2 =	vmul.f32 $8.000000000e+00, v7  }
0x102: {  	v7 =	vld [tilespmem:s23+$0xFFFFFFB0];
	[tilespmem:s17+$0xFFFFFFE0] =	vst v1;
	v1 =	vmul.f32 $8.000000000e+00, v0  }
.Ltmp2:
0x103: {  	v0 =	vld [tilespmem:s23+$0xFFFFFFF0];
	[tilespmem:s17+$0x20] =	vst v2;
	v4 =	vmul.f32 $8.000000000e+00, v4;
	(pc) =	sbr.rel @p0 .LBB2_7-.Ltmp2, $4  }
0x104: {  	v5 =	vmul.f32 $8.000000000e+00, v5;
	v2 =	vld [tilespmem:s23+$0x30];
	[tilespmem:s17+$0x60] =	vst v1  }
0x105: {  	v1 =	vld [tilespmem:s23+$0x70];
	[tilespmem:s17+$0xA0] =	vst v4;
	v9 =	vmul.f32 $8.000000000e+00, v3  }
0x106: {  	[tilespmem:s17+$0xFFFFFF20] =	vst v5;
	v6 =	vmul.f32 $8.000000000e+00, v8;
	v3 =	vld [tilespmem:s23+$0xB0]  }
0x107: {  	v4 =	vld [tilespmem:s23+$0xFFFFFF30];
	v5 =	vmul.f32 $8.000000000e+00, v7;
	[tilespmem:s17+$0xF0] =	vst v9;
	s23 =	sadd.s32 $0x200, s23  }
0x108: {  	[tilespmem:s17+$0xFFFFFF70] =	vst v6;
	v0 =	vmul.f32 $8.000000000e+00, v0  }
0x109: {  	[tilespmem:s17+$0xFFFFFFB0] =	vst v5;
	v2 =	vmul.f32 $8.000000000e+00, v2  }
0x10a: {  	s19 =	sshll.u32 s0, $0x1;
	[tilespmem:s17+$0xFFFFFFF0] =	vst v0;
	v0 =	vmul.f32 $8.000000000e+00, v1  }
0x10b: {  	s24 =	smul.u32 $0x640, s0;
	s23 =	sadd.s32 s4, s19;
	[tilespmem:s17+$0x30] =	vst v2;
	v1 =	vmul.f32 $8.000000000e+00, v3  }
0x10c: {  	s23 =	smul.u32 $0x640, s23;
	v2 =	vmul.f32 $8.000000000e+00, v4;
	[tilespmem:s17+$0x70] =	vst v0  }
0x10d: {  	[tilespmem:s17+$0xB0] =	vst v1  }
0x10e: {  	s23 =	sadd.s32 s2, s23;
	[tilespmem:s17+$0xFFFFFF30] =	vst v2;
	s17 =	sshra.s32 s24, $0x2  }
0x10f: {  	[hbm4b:s23+s3] =	stream.linear.scatter [tilespmem:s22], [sflag:$0x3], $0x3200, $0x38;
	[tilespmem:$0x12C00] =	vst v63  }
0x110: {  	s23 =	sadd.s32 $0x190, s17  }
0x111: {  	[tilespmem:s14], [sflag:$0x1] =	stream.indirect.gather [hbm4b:s5+s13], $0x40, s23, s13, $0xb8;
	[tilespmem:$0x12C00] =	vst v63  }
0x112: {  	s24 =	sadd.s32 $0x210, s17  }
0x113: {  	[tilespmem:s16], [sflag:$0x1] =	stream.indirect.gather [hbm4b:s5+s15], $0x40, s24, s15, $0xb8;
	[tilespmem:$0x12C00] =	vst v63  }
0x114: {  	_ =	swait.ge [sflag:s25], $0x2000  }
0x115: {  	[sflag:s25] =	ssyncset.done $0x0  }
0x116: {  	[sflag:s25] =	ssyncadd.s32 $0xFFFFE000  }
0x117: {  	_ =	swait.ge [sflag:s25], $0x1200  }
0x118: {  	[sflag:s25] =	ssyncset.done $0x0  }
0x119: {  	[sflag:s25] =	ssyncadd.s32 $0xFFFFEE00  }
0x11a: {  	_ =	swait.ge [sflag:s31], $0x3200  }
0x11b: {  	[sflag:s31] =	ssyncset.done $0x0  }
0x11c: {  	s28 =	simm.s32 $0x9700;
	[sflag:s31] =	ssyncadd.s32 $0xFFFFCE00  }
0x11d: {  	v0 =	vld [tilespmem:s28+$0xC0]  }
0x11e: {  	v1 =	vld [tilespmem:s28+$0xFFFFFF40]  }
0x11f: {  	v2 =	vld [tilespmem:s28+$0xFFFFFF80]  }
0x120: {  	v3 =	vld [tilespmem:s28+$0xFFFFFFC0]  }
0x121: {  	v4 =	vld [tilespmem:s28+$0x0]  }
0x122: {  	v5 =	vld [tilespmem:s28+$0x40];
	v0 =	vmul.f32 $8.000000000e+00, v0  }
0x123: {  	s23 =	simm.s32 $0xFB00;
	v6 =	vld [tilespmem:s28+$0x80];
	v1 =	vmul.f32 $8.000000000e+00, v1  }
0x124: {  	v7 =	vld [tilespmem:s28+$0xFFFFFF00];
	v2 =	vmul.f32 $8.000000000e+00, v2;
	[tilespmem:s23+$0xC0] =	vst v0  }
0x125: {  	[tilespmem:s23+$0xFFFFFF40] =	vst v1;
	v0 =	vmul.f32 $8.000000000e+00, v3;
	v1 =	vld [tilespmem:s28+$0xD0]  }
0x126: {  	[tilespmem:s23+$0xFFFFFF80] =	vst v2;
	v2 =	vmul.f32 $8.000000000e+00, v4;
	v3 =	vld [tilespmem:s28+$0xFFFFFF50]  }
0x127: {  	v4 =	vld [tilespmem:s28+$0xFFFFFF90];
	[tilespmem:s23+$0xFFFFFFC0] =	vst v0;
	v0 =	vmul.f32 $8.000000000e+00, v5  }
0x128: {  	[tilespmem:s23+$0x0] =	vst v2;
	v2 =	vmul.f32 $8.000000000e+00, v6;
	v5 =	vld [tilespmem:s28+$0xFFFFFFD0]  }
0x129: {  	v6 =	vmul.f32 $8.000000000e+00, v7;
	v7 =	vld [tilespmem:s28+$0x10];
	[tilespmem:s23+$0x40] =	vst v0  }
0x12a: {  	[tilespmem:s23+$0x80] =	vst v2;
	v0 =	vld [tilespmem:s28+$0x50];
	v1 =	vmul.f32 $8.000000000e+00, v1  }
0x12b: {  	[tilespmem:s23+$0xFFFFFF00] =	vst v6;
	v2 =	vmul.f32 $8.000000000e+00, v3;
	v3 =	vld [tilespmem:s28+$0x90]  }
0x12c: {  	v6 =	vld [tilespmem:s28+$0xFFFFFF10];
	v4 =	vmul.f32 $8.000000000e+00, v4;
	[tilespmem:s23+$0xD0] =	vst v1  }
0x12d: {  	[tilespmem:s23+$0xFFFFFF50] =	vst v2;
	v1 =	vmul.f32 $8.000000000e+00, v5;
	v2 =	vld [tilespmem:s28+$0xE0]  }
0x12e: {  	[tilespmem:s23+$0xFFFFFF90] =	vst v4;
	v4 =	vmul.f32 $8.000000000e+00, v7;
	v5 =	vld [tilespmem:s28+$0xFFFFFF60]  }
0x12f: {  	v7 =	vld [tilespmem:s28+$0xFFFFFFA0];
	[tilespmem:s23+$0xFFFFFFD0] =	vst v1;
	v0 =	vmul.f32 $8.000000000e+00, v0  }
0x130: {  	[tilespmem:s23+$0x10] =	vst v4;
	v1 =	vld [tilespmem:s28+$0xFFFFFFE0];
	v3 =	vmul.f32 $8.000000000e+00, v3  }
0x131: {  	v4 =	vmul.f32 $8.000000000e+00, v6;
	v6 =	vld [tilespmem:s28+$0x20];
	[tilespmem:s23+$0x50] =	vst v0  }
0x132: {  	v0 =	vld [tilespmem:s28+$0x60];
	[tilespmem:s23+$0x90] =	vst v3;
	v2 =	vmul.f32 $8.000000000e+00, v2  }
0x133: {  	[tilespmem:s23+$0xFFFFFF10] =	vst v4;
	v3 =	vmul.f32 $8.000000000e+00, v5;
	v4 =	vld [tilespmem:s28+$0xA0]  }
0x134: {  	v5 =	vld [tilespmem:s28+$0xFFFFFF20];
	v7 =	vmul.f32 $8.000000000e+00, v7;
	[tilespmem:s23+$0xE0] =	vst v2  }
0x135: {  	[tilespmem:s23+$0xFFFFFF60] =	vst v3;
	v1 =	vmul.f32 $8.000000000e+00, v1;
	v3 =	vld [tilespmem:s28+$0xF0]  }
0x136: {  	[tilespmem:s23+$0xFFFFFFA0] =	vst v7;
	v2 =	vmul.f32 $8.000000000e+00, v6;
	v8 =	vld [tilespmem:s28+$0xFFFFFF70]  }
0x137: {  	v7 =	vld [tilespmem:s28+$0xFFFFFFB0];
	[tilespmem:s23+$0xFFFFFFE0] =	vst v1;
	v1 =	vmul.f32 $8.000000000e+00, v0  }
0x138: {  	[tilespmem:s23+$0x20] =	vst v2;
	v0 =	vld [tilespmem:s28+$0xFFFFFFF0];
	v4 =	vmul.f32 $8.000000000e+00, v4  }
0x139: {  	v5 =	vmul.f32 $8.000000000e+00, v5;
	v2 =	vld [tilespmem:s28+$0x30];
	[tilespmem:s23+$0x60] =	vst v1  }
0x13a: {  	v1 =	vld [tilespmem:s28+$0x70];
	[tilespmem:s23+$0xA0] =	vst v4;
	v9 =	vmul.f32 $8.000000000e+00, v3  }
0x13b: {  	[tilespmem:s23+$0xFFFFFF20] =	vst v5;
	v3 =	vld [tilespmem:s28+$0xB0];
	v6 =	vmul.f32 $8.000000000e+00, v8  }
0x13c: {  	s24 =	simm.s32 $0x0;
	v4 =	vld [tilespmem:s28+$0xFFFFFF30];
	v5 =	vmul.f32 $8.000000000e+00, v7;
	s28 =	simm.s32 $0x9900;
	[tilespmem:s23+$0xF0] =	vst v9  }
.LBB2_9:
0x13d: {  	v7 =	vld [tilespmem:s28+$0xC0];
	s24 =	sadd.s32 $0x8, s24;
	[tilespmem:s23+$0xFFFFFF70] =	vst v6;
	v0 =	vmul.f32 $8.000000000e+00, v0  }
0x13e: {  	v6 =	vld [tilespmem:s28+$0xFFFFFF40];
	p0 =	slt.u32 s24, $0xC0;
	[tilespmem:s23+$0xFFFFFFB0] =	vst v5;
	v2 =	vmul.f32 $8.000000000e+00, v2  }
0x13f: {  	v5 =	vld [tilespmem:s28+$0xFFFFFF80];
	[tilespmem:s23+$0xFFFFFFF0] =	vst v0;
	v0 =	vmul.f32 $8.000000000e+00, v1  }
0x140: {  	v1 =	vld [tilespmem:s28+$0xFFFFFFC0];
	[tilespmem:s23+$0x30] =	vst v2;
	v2 =	vmul.f32 $8.000000000e+00, v3  }
0x141: {  	v3 =	vld [tilespmem:s28+$0x0];
	v4 =	vmul.f32 $8.000000000e+00, v4;
	[tilespmem:s23+$0x70] =	vst v0  }
0x142: {  	v0 =	vld [tilespmem:s28+$0x40];
	v7 =	vmul.f32 $8.000000000e+00, v7;
	[tilespmem:s23+$0xB0] =	vst v2  }
0x143: {  	v2 =	vmul.f32 $8.000000000e+00, v6;
	v6 =	vld [tilespmem:s28+$0x80];
	[tilespmem:s23+$0xFFFFFF30] =	vst v4;
	s23 =	sadd.s32 $0x200, s23  }
0x144: {  	v4 =	vld [tilespmem:s28+$0xFFFFFF00];
	v5 =	vmul.f32 $8.000000000e+00, v5;
	[tilespmem:s23+$0xC0] =	vst v7  }
0x145: {  	[tilespmem:s23+$0xFFFFFF40] =	vst v2;
	v1 =	vmul.f32 $8.000000000e+00, v1;
	v2 =	vld [tilespmem:s28+$0xD0]  }
0x146: {  	v7 =	vld [tilespmem:s28+$0xFFFFFF50];
	[tilespmem:s23+$0xFFFFFF80] =	vst v5;
	v3 =	vmul.f32 $8.000000000e+00, v3  }
0x147: {  	v5 =	vld [tilespmem:s28+$0xFFFFFF90];
	[tilespmem:s23+$0xFFFFFFC0] =	vst v1;
	v0 =	vmul.f32 $8.000000000e+00, v0  }
0x148: {  	v1 =	vld [tilespmem:s28+$0xFFFFFFD0];
	[tilespmem:s23+$0x0] =	vst v3;
	v3 =	vmul.f32 $8.000000000e+00, v6  }
0x149: {  	v4 =	vmul.f32 $8.000000000e+00, v4;
	v6 =	vld [tilespmem:s28+$0x10];
	[tilespmem:s23+$0x40] =	vst v0  }
0x14a: {  	v0 =	vld [tilespmem:s28+$0x50];
	[tilespmem:s23+$0x80] =	vst v3;
	v2 =	vmul.f32 $8.000000000e+00, v2  }
0x14b: {  	[tilespmem:s23+$0xFFFFFF00] =	vst v4;
	v3 =	vmul.f32 $8.000000000e+00, v7;
	v4 =	vld [tilespmem:s28+$0x90]  }
0x14c: {  	v7 =	vld [tilespmem:s28+$0xFFFFFF10];
	v5 =	vmul.f32 $8.000000000e+00, v5;
	[tilespmem:s23+$0xD0] =	vst v2  }
0x14d: {  	[tilespmem:s23+$0xFFFFFF50] =	vst v3;
	v1 =	vmul.f32 $8.000000000e+00, v1;
	v2 =	vld [tilespmem:s28+$0xE0]  }
0x14e: {  	v3 =	vld [tilespmem:s28+$0xFFFFFF60];
	[tilespmem:s23+$0xFFFFFF90] =	vst v5;
	v5 =	vmul.f32 $8.000000000e+00, v6  }
0x14f: {  	v6 =	vld [tilespmem:s28+$0xFFFFFFA0];
	[tilespmem:s23+$0xFFFFFFD0] =	vst v1;
	v0 =	vmul.f32 $8.000000000e+00, v0  }
0x150: {  	v1 =	vld [tilespmem:s28+$0xFFFFFFE0];
	[tilespmem:s23+$0x10] =	vst v5;
	v4 =	vmul.f32 $8.000000000e+00, v4  }
0x151: {  	v5 =	vmul.f32 $8.000000000e+00, v7;
	v7 =	vld [tilespmem:s28+$0x20];
	[tilespmem:s23+$0x50] =	vst v0  }
0x152: {  	v0 =	vld [tilespmem:s28+$0x60];
	[tilespmem:s23+$0x90] =	vst v4;
	v2 =	vmul.f32 $8.000000000e+00, v2  }
0x153: {  	[tilespmem:s23+$0xFFFFFF10] =	vst v5;
	v3 =	vmul.f32 $8.000000000e+00, v3;
	v4 =	vld [tilespmem:s28+$0xA0]  }
0x154: {  	v5 =	vld [tilespmem:s28+$0xFFFFFF20];
	v6 =	vmul.f32 $8.000000000e+00, v6;
	[tilespmem:s23+$0xE0] =	vst v2  }
0x155: {  	[tilespmem:s23+$0xFFFFFF60] =	vst v3;
	v1 =	vmul.f32 $8.000000000e+00, v1;
	v3 =	vld [tilespmem:s28+$0xF0]  }
0x156: {  	v8 =	vld [tilespmem:s28+$0xFFFFFF70];
	[tilespmem:s23+$0xFFFFFFA0] =	vst v6;
	v2 =	vmul.f32 $8.000000000e+00, v7  }
0x157: {  	v7 =	vld [tilespmem:s28+$0xFFFFFFB0];
	[tilespmem:s23+$0xFFFFFFE0] =	vst v1;
	v1 =	vmul.f32 $8.000000000e+00, v0  }
.Ltmp3:
0x158: {  	v0 =	vld [tilespmem:s28+$0xFFFFFFF0];
	[tilespmem:s23+$0x20] =	vst v2;
	v4 =	vmul.f32 $8.000000000e+00, v4;
	(pc) =	sbr.rel @p0 .LBB2_9-.Ltmp3, $4  }
0x159: {  	v5 =	vmul.f32 $8.000000000e+00, v5;
	v2 =	vld [tilespmem:s28+$0x30];
	[tilespmem:s23+$0x60] =	vst v1  }
0x15a: {  	v1 =	vld [tilespmem:s28+$0x70];
	[tilespmem:s23+$0xA0] =	vst v4;
	v9 =	vmul.f32 $8.000000000e+00, v3  }
0x15b: {  	[tilespmem:s23+$0xFFFFFF20] =	vst v5;
	v6 =	vmul.f32 $8.000000000e+00, v8;
	v3 =	vld [tilespmem:s28+$0xB0]  }
0x15c: {  	v4 =	vld [tilespmem:s28+$0xFFFFFF30];
	v5 =	vmul.f32 $8.000000000e+00, v7;
	[tilespmem:s23+$0xF0] =	vst v9;
	s28 =	sadd.s32 $0x200, s28  }
0x15d: {  	[tilespmem:s23+$0xFFFFFF70] =	vst v6;
	v0 =	vmul.f32 $8.000000000e+00, v0  }
0x15e: {  	[tilespmem:s23+$0xFFFFFFB0] =	vst v5;
	v2 =	vmul.f32 $8.000000000e+00, v2  }
0x15f: {  	s19 =	sadd.s32 s19, s4;
	[tilespmem:s23+$0xFFFFFFF0] =	vst v0;
	v61 =	vmul.f32 $8.000000000e+00, v1  }
0x160: {  	s19 =	smul.u32 $0x640, s19;
	[tilespmem:s23+$0x30] =	vst v2;
	v62 =	vmul.f32 $8.000000000e+00, v3  }
0x161: {  	v63 =	vmul.f32 $8.000000000e+00, v4;
	[tilespmem:s23+$0x70] =	vst v61  }
0x162: {  	s0 =	sadd.s32 $0x1, s0;
	s19 =	sadd.s32 s2, s19;
	[tilespmem:s23+$0xB0] =	vst v62  }
0x163: {  	p0 =	sne.s32 s0, $0x3F;
	s19 =	sadd.s32 $0x640, s19;
	[tilespmem:s23+$0xFFFFFF30] =	vst v63  }
0x164: {  	[hbm4b:s19+s3] =	stream.linear.scatter [tilespmem:s26], [sflag:$0x4], $0x3200, $0x38;
	[tilespmem:$0x12C00] =	vst v63  }
.Ltmp4:
0x165: {  	_ = 	snop;
	(pc) =	sbr.rel @p0 .LBB2_6-.Ltmp4, $4  }
0x166: {  	s24 =	sadd.s32 $0x258, s17  }
0x167: {  	[tilespmem:s18], [sflag:$0x2] =	stream.indirect.gather [hbm4b:s5+s13], $0x40, s24, s13, $0xb8;
	[tilespmem:$0x12C00] =	vst v63  }
0x168: {  	s28 =	sadd.s32 $0x2D8, s17  }
0x169: {  	[tilespmem:s20], [sflag:$0x2] =	stream.indirect.gather [hbm4b:s5+s15], $0x40, s28, s15, $0xb8;
	[tilespmem:$0x12C00] =	vst v63  }
0x16a: {  	_ =	swait.ge [sflag:s21], $0x2000  }
0x16b: {  	[sflag:s21] =	ssyncset.done $0x0  }
0x16c: {  	[sflag:s21] =	ssyncadd.s32 $0xFFFFE000  }
0x16d: {  	_ =	swait.ge [sflag:s21], $0x1200  }
0x16e: {  	[sflag:s21] =	ssyncset.done $0x0  }
0x16f: {  	[sflag:s21] =	ssyncadd.s32 $0xFFFFEE00  }
0x170: {  	_ =	swait.ge [sflag:s30], $0x3200  }
0x171: {  	[sflag:s30] =	ssyncset.done $0x0  }
0x172: {  	s19 =	simm.s32 $0x6500;
	[sflag:s30] =	ssyncadd.s32 $0xFFFFCE00  }
0x173: {  	v0 =	vld [tilespmem:s19+$0xC0]  }
0x174: {  	v1 =	vld [tilespmem:s19+$0xFFFFFF40]  }
0x175: {  	v2 =	vld [tilespmem:s19+$0xFFFFFF80]  }
0x176: {  	v3 =	vld [tilespmem:s19+$0xFFFFFFC0]  }
0x177: {  	v4 =	vld [tilespmem:s19+$0x0]  }
0x178: {  	v5 =	vld [tilespmem:s19+$0x40];
	v0 =	vmul.f32 $8.000000000e+00, v0  }
0x179: {  	s0 =	simm.s32 $0xC900;
	v6 =	vld [tilespmem:s19+$0x80];
	v1 =	vmul.f32 $8.000000000e+00, v1  }
0x17a: {  	v7 =	vld [tilespmem:s19+$0xFFFFFF00];
	v2 =	vmul.f32 $8.000000000e+00, v2;
	[tilespmem:s0+$0xC0] =	vst v0  }
0x17b: {  	[tilespmem:s0+$0xFFFFFF40] =	vst v1;
	v0 =	vmul.f32 $8.000000000e+00, v3;
	v1 =	vld [tilespmem:s19+$0xD0]  }
0x17c: {  	[tilespmem:s0+$0xFFFFFF80] =	vst v2;
	v2 =	vmul.f32 $8.000000000e+00, v4;
	v3 =	vld [tilespmem:s19+$0xFFFFFF50]  }
0x17d: {  	v4 =	vld [tilespmem:s19+$0xFFFFFF90];
	[tilespmem:s0+$0xFFFFFFC0] =	vst v0;
	v0 =	vmul.f32 $8.000000000e+00, v5  }
0x17e: {  	[tilespmem:s0+$0x0] =	vst v2;
	v2 =	vmul.f32 $8.000000000e+00, v6;
	v5 =	vld [tilespmem:s19+$0xFFFFFFD0]  }
0x17f: {  	v6 =	vmul.f32 $8.000000000e+00, v7;
	v7 =	vld [tilespmem:s19+$0x10];
	[tilespmem:s0+$0x40] =	vst v0  }
0x180: {  	[tilespmem:s0+$0x80] =	vst v2;
	v0 =	vld [tilespmem:s19+$0x50];
	v1 =	vmul.f32 $8.000000000e+00, v1  }
0x181: {  	[tilespmem:s0+$0xFFFFFF00] =	vst v6;
	v2 =	vmul.f32 $8.000000000e+00, v3;
	v3 =	vld [tilespmem:s19+$0x90]  }
0x182: {  	v6 =	vld [tilespmem:s19+$0xFFFFFF10];
	v4 =	vmul.f32 $8.000000000e+00, v4;
	[tilespmem:s0+$0xD0] =	vst v1  }
0x183: {  	[tilespmem:s0+$0xFFFFFF50] =	vst v2;
	v1 =	vmul.f32 $8.000000000e+00, v5;
	v2 =	vld [tilespmem:s19+$0xE0]  }
0x184: {  	[tilespmem:s0+$0xFFFFFF90] =	vst v4;
	v4 =	vmul.f32 $8.000000000e+00, v7;
	v5 =	vld [tilespmem:s19+$0xFFFFFF60]  }
0x185: {  	v7 =	vld [tilespmem:s19+$0xFFFFFFA0];
	[tilespmem:s0+$0xFFFFFFD0] =	vst v1;
	v0 =	vmul.f32 $8.000000000e+00, v0  }
0x186: {  	[tilespmem:s0+$0x10] =	vst v4;
	v1 =	vld [tilespmem:s19+$0xFFFFFFE0];
	v3 =	vmul.f32 $8.000000000e+00, v3  }
0x187: {  	v4 =	vmul.f32 $8.000000000e+00, v6;
	v6 =	vld [tilespmem:s19+$0x20];
	[tilespmem:s0+$0x50] =	vst v0  }
0x188: {  	v0 =	vld [tilespmem:s19+$0x60];
	[tilespmem:s0+$0x90] =	vst v3;
	v2 =	vmul.f32 $8.000000000e+00, v2  }
0x189: {  	[tilespmem:s0+$0xFFFFFF10] =	vst v4;
	v3 =	vmul.f32 $8.000000000e+00, v5;
	v4 =	vld [tilespmem:s19+$0xA0]  }
0x18a: {  	v5 =	vld [tilespmem:s19+$0xFFFFFF20];
	v7 =	vmul.f32 $8.000000000e+00, v7;
	[tilespmem:s0+$0xE0] =	vst v2  }
0x18b: {  	[tilespmem:s0+$0xFFFFFF60] =	vst v3;
	v1 =	vmul.f32 $8.000000000e+00, v1;
	v3 =	vld [tilespmem:s19+$0xF0]  }
0x18c: {  	[tilespmem:s0+$0xFFFFFFA0] =	vst v7;
	v2 =	vmul.f32 $8.000000000e+00, v6;
	v8 =	vld [tilespmem:s19+$0xFFFFFF70]  }
0x18d: {  	v7 =	vld [tilespmem:s19+$0xFFFFFFB0];
	[tilespmem:s0+$0xFFFFFFE0] =	vst v1;
	v1 =	vmul.f32 $8.000000000e+00, v0  }
0x18e: {  	[tilespmem:s0+$0x20] =	vst v2;
	v0 =	vld [tilespmem:s19+$0xFFFFFFF0];
	v4 =	vmul.f32 $8.000000000e+00, v4  }
0x18f: {  	v5 =	vmul.f32 $8.000000000e+00, v5;
	v2 =	vld [tilespmem:s19+$0x30];
	[tilespmem:s0+$0x60] =	vst v1  }
0x190: {  	v1 =	vld [tilespmem:s19+$0x70];
	[tilespmem:s0+$0xA0] =	vst v4;
	v9 =	vmul.f32 $8.000000000e+00, v3  }
0x191: {  	[tilespmem:s0+$0xFFFFFF20] =	vst v5;
	v3 =	vld [tilespmem:s19+$0xB0];
	v6 =	vmul.f32 $8.000000000e+00, v8  }
0x192: {  	s17 =	simm.s32 $0x0;
	v4 =	vld [tilespmem:s19+$0xFFFFFF30];
	v5 =	vmul.f32 $8.000000000e+00, v7;
	s19 =	simm.s32 $0x6700;
	[tilespmem:s0+$0xF0] =	vst v9  }
.LBB2_12:
0x193: {  	v7 =	vld [tilespmem:s19+$0xC0];
	s17 =	sadd.s32 $0x8, s17;
	[tilespmem:s0+$0xFFFFFF70] =	vst v6;
	v0 =	vmul.f32 $8.000000000e+00, v0  }
0x194: {  	v6 =	vld [tilespmem:s19+$0xFFFFFF40];
	p0 =	slt.u32 s17, $0xC0;
	[tilespmem:s0+$0xFFFFFFB0] =	vst v5;
	v2 =	vmul.f32 $8.000000000e+00, v2  }
0x195: {  	v5 =	vld [tilespmem:s19+$0xFFFFFF80];
	[tilespmem:s0+$0xFFFFFFF0] =	vst v0;
	v0 =	vmul.f32 $8.000000000e+00, v1  }
0x196: {  	v1 =	vld [tilespmem:s19+$0xFFFFFFC0];
	[tilespmem:s0+$0x30] =	vst v2;
	v2 =	vmul.f32 $8.000000000e+00, v3  }
0x197: {  	v3 =	vld [tilespmem:s19+$0x0];
	v4 =	vmul.f32 $8.000000000e+00, v4;
	[tilespmem:s0+$0x70] =	vst v0  }
0x198: {  	v0 =	vld [tilespmem:s19+$0x40];
	v7 =	vmul.f32 $8.000000000e+00, v7;
	[tilespmem:s0+$0xB0] =	vst v2  }
0x199: {  	v2 =	vmul.f32 $8.000000000e+00, v6;
	v6 =	vld [tilespmem:s19+$0x80];
	[tilespmem:s0+$0xFFFFFF30] =	vst v4;
	s0 =	sadd.s32 $0x200, s0  }
0x19a: {  	v4 =	vld [tilespmem:s19+$0xFFFFFF00];
	v5 =	vmul.f32 $8.000000000e+00, v5;
	[tilespmem:s0+$0xC0] =	vst v7  }
0x19b: {  	[tilespmem:s0+$0xFFFFFF40] =	vst v2;
	v1 =	vmul.f32 $8.000000000e+00, v1;
	v2 =	vld [tilespmem:s19+$0xD0]  }
0x19c: {  	v7 =	vld [tilespmem:s19+$0xFFFFFF50];
	[tilespmem:s0+$0xFFFFFF80] =	vst v5;
	v3 =	vmul.f32 $8.000000000e+00, v3  }
0x19d: {  	v5 =	vld [tilespmem:s19+$0xFFFFFF90];
	[tilespmem:s0+$0xFFFFFFC0] =	vst v1;
	v0 =	vmul.f32 $8.000000000e+00, v0  }
0x19e: {  	v1 =	vld [tilespmem:s19+$0xFFFFFFD0];
	[tilespmem:s0+$0x0] =	vst v3;
	v3 =	vmul.f32 $8.000000000e+00, v6  }
0x19f: {  	v4 =	vmul.f32 $8.000000000e+00, v4;
	v6 =	vld [tilespmem:s19+$0x10];
	[tilespmem:s0+$0x40] =	vst v0  }
0x1a0: {  	v0 =	vld [tilespmem:s19+$0x50];
	[tilespmem:s0+$0x80] =	vst v3;
	v2 =	vmul.f32 $8.000000000e+00, v2  }
0x1a1: {  	[tilespmem:s0+$0xFFFFFF00] =	vst v4;
	v3 =	vmul.f32 $8.000000000e+00, v7;
	v4 =	vld [tilespmem:s19+$0x90]  }
0x1a2: {  	v7 =	vld [tilespmem:s19+$0xFFFFFF10];
	v5 =	vmul.f32 $8.000000000e+00, v5;
	[tilespmem:s0+$0xD0] =	vst v2  }
0x1a3: {  	[tilespmem:s0+$0xFFFFFF50] =	vst v3;
	v1 =	vmul.f32 $8.000000000e+00, v1;
	v2 =	vld [tilespmem:s19+$0xE0]  }
0x1a4: {  	v3 =	vld [tilespmem:s19+$0xFFFFFF60];
	[tilespmem:s0+$0xFFFFFF90] =	vst v5;
	v5 =	vmul.f32 $8.000000000e+00, v6  }
0x1a5: {  	v6 =	vld [tilespmem:s19+$0xFFFFFFA0];
	[tilespmem:s0+$0xFFFFFFD0] =	vst v1;
	v0 =	vmul.f32 $8.000000000e+00, v0  }
0x1a6: {  	v1 =	vld [tilespmem:s19+$0xFFFFFFE0];
	[tilespmem:s0+$0x10] =	vst v5;
	v4 =	vmul.f32 $8.000000000e+00, v4  }
0x1a7: {  	v5 =	vmul.f32 $8.000000000e+00, v7;
	v7 =	vld [tilespmem:s19+$0x20];
	[tilespmem:s0+$0x50] =	vst v0  }
0x1a8: {  	v0 =	vld [tilespmem:s19+$0x60];
	[tilespmem:s0+$0x90] =	vst v4;
	v2 =	vmul.f32 $8.000000000e+00, v2  }
0x1a9: {  	[tilespmem:s0+$0xFFFFFF10] =	vst v5;
	v3 =	vmul.f32 $8.000000000e+00, v3;
	v4 =	vld [tilespmem:s19+$0xA0]  }
0x1aa: {  	v5 =	vld [tilespmem:s19+$0xFFFFFF20];
	v6 =	vmul.f32 $8.000000000e+00, v6;
	[tilespmem:s0+$0xE0] =	vst v2  }
0x1ab: {  	[tilespmem:s0+$0xFFFFFF60] =	vst v3;
	v1 =	vmul.f32 $8.000000000e+00, v1;
	v3 =	vld [tilespmem:s19+$0xF0]  }
0x1ac: {  	v8 =	vld [tilespmem:s19+$0xFFFFFF70];
	[tilespmem:s0+$0xFFFFFFA0] =	vst v6;
	v2 =	vmul.f32 $8.000000000e+00, v7  }
0x1ad: {  	v7 =	vld [tilespmem:s19+$0xFFFFFFB0];
	[tilespmem:s0+$0xFFFFFFE0] =	vst v1;
	v1 =	vmul.f32 $8.000000000e+00, v0  }
.Ltmp5:
0x1ae: {  	v0 =	vld [tilespmem:s19+$0xFFFFFFF0];
	[tilespmem:s0+$0x20] =	vst v2;
	v4 =	vmul.f32 $8.000000000e+00, v4;
	(pc) =	sbr.rel @p0 .LBB2_12-.Ltmp5, $4  }
0x1af: {  	v5 =	vmul.f32 $8.000000000e+00, v5;
	v2 =	vld [tilespmem:s19+$0x30];
	[tilespmem:s0+$0x60] =	vst v1  }
0x1b0: {  	v1 =	vld [tilespmem:s19+$0x70];
	[tilespmem:s0+$0xA0] =	vst v4;
	v9 =	vmul.f32 $8.000000000e+00, v3  }
0x1b1: {  	[tilespmem:s0+$0xFFFFFF20] =	vst v5;
	v6 =	vmul.f32 $8.000000000e+00, v8;
	v3 =	vld [tilespmem:s19+$0xB0]  }
0x1b2: {  	v4 =	vld [tilespmem:s19+$0xFFFFFF30];
	v5 =	vmul.f32 $8.000000000e+00, v7;
	[tilespmem:s0+$0xF0] =	vst v9;
	s19 =	sadd.s32 $0x200, s19  }
0x1b3: {  	[tilespmem:s0+$0xFFFFFF70] =	vst v6;
	v0 =	vmul.f32 $8.000000000e+00, v0  }
0x1b4: {  	[tilespmem:s0+$0xFFFFFFB0] =	vst v5;
	v2 =	vmul.f32 $8.000000000e+00, v2  }
0x1b5: {  	[tilespmem:s0+$0xFFFFFFF0] =	vst v0;
	v0 =	vmul.f32 $8.000000000e+00, v1  }
0x1b6: {  	[tilespmem:s0+$0x30] =	vst v2;
	v1 =	vmul.f32 $8.000000000e+00, v3  }
0x1b7: {  	v2 =	vmul.f32 $8.000000000e+00, v4;
	[tilespmem:s0+$0x70] =	vst v0  }
0x1b8: {  	[tilespmem:s0+$0xB0] =	vst v1  }
0x1b9: {  	[tilespmem:s0+$0xFFFFFF30] =	vst v2  }
0x1ba: {  	[hbm4b:s9+s3] =	stream.linear.scatter [tilespmem:s22], [sflag:$0x3], $0x3200, $0x38;
	[tilespmem:$0x12C00] =	vst v63  }
0x1bb: {  	_ =	swait.ge [sflag:s25], $0x2000  }
0x1bc: {  	[sflag:s25] =	ssyncset.done $0x0  }
0x1bd: {  	[sflag:s25] =	ssyncadd.s32 $0xFFFFE000  }
0x1be: {  	_ =	swait.ge [sflag:s25], $0x1200  }
0x1bf: {  	[sflag:s25] =	ssyncset.done $0x0  }
0x1c0: {  	[sflag:s25] =	ssyncadd.s32 $0xFFFFEE00  }
0x1c1: {  	_ =	swait.ge [sflag:s31], $0x3200  }
0x1c2: {  	[sflag:s31] =	ssyncset.done $0x0  }
0x1c3: {  	s19 =	simm.s32 $0x9700;
	[sflag:s31] =	ssyncadd.s32 $0xFFFFCE00  }
0x1c4: {  	v0 =	vld [tilespmem:s19+$0xC0]  }
0x1c5: {  	v1 =	vld [tilespmem:s19+$0xFFFFFF40]  }
0x1c6: {  	v2 =	vld [tilespmem:s19+$0xFFFFFF80]  }
0x1c7: {  	v3 =	vld [tilespmem:s19+$0xFFFFFFC0]  }
0x1c8: {  	v4 =	vld [tilespmem:s19+$0x0]  }
0x1c9: {  	v5 =	vld [tilespmem:s19+$0x40];
	v0 =	vmul.f32 $8.000000000e+00, v0  }
0x1ca: {  	s0 =	simm.s32 $0xFB00;
	v6 =	vld [tilespmem:s19+$0x80];
	v1 =	vmul.f32 $8.000000000e+00, v1  }
0x1cb: {  	v7 =	vld [tilespmem:s19+$0xFFFFFF00];
	v2 =	vmul.f32 $8.000000000e+00, v2;
	[tilespmem:s0+$0xC0] =	vst v0  }
0x1cc: {  	[tilespmem:s0+$0xFFFFFF40] =	vst v1;
	v0 =	vmul.f32 $8.000000000e+00, v3;
	v1 =	vld [tilespmem:s19+$0xD0]  }
0x1cd: {  	[tilespmem:s0+$0xFFFFFF80] =	vst v2;
	v2 =	vmul.f32 $8.000000000e+00, v4;
	v3 =	vld [tilespmem:s19+$0xFFFFFF50]  }
0x1ce: {  	v4 =	vld [tilespmem:s19+$0xFFFFFF90];
	[tilespmem:s0+$0xFFFFFFC0] =	vst v0;
	v0 =	vmul.f32 $8.000000000e+00, v5  }
0x1cf: {  	[tilespmem:s0+$0x0] =	vst v2;
	v2 =	vmul.f32 $8.000000000e+00, v6;
	v5 =	vld [tilespmem:s19+$0xFFFFFFD0]  }
0x1d0: {  	v6 =	vmul.f32 $8.000000000e+00, v7;
	v7 =	vld [tilespmem:s19+$0x10];
	[tilespmem:s0+$0x40] =	vst v0  }
0x1d1: {  	[tilespmem:s0+$0x80] =	vst v2;
	v0 =	vld [tilespmem:s19+$0x50];
	v1 =	vmul.f32 $8.000000000e+00, v1  }
0x1d2: {  	[tilespmem:s0+$0xFFFFFF00] =	vst v6;
	v2 =	vmul.f32 $8.000000000e+00, v3;
	v3 =	vld [tilespmem:s19+$0x90]  }
0x1d3: {  	v6 =	vld [tilespmem:s19+$0xFFFFFF10];
	v4 =	vmul.f32 $8.000000000e+00, v4;
	[tilespmem:s0+$0xD0] =	vst v1  }
0x1d4: {  	[tilespmem:s0+$0xFFFFFF50] =	vst v2;
	v1 =	vmul.f32 $8.000000000e+00, v5;
	v2 =	vld [tilespmem:s19+$0xE0]  }
0x1d5: {  	[tilespmem:s0+$0xFFFFFF90] =	vst v4;
	v4 =	vmul.f32 $8.000000000e+00, v7;
	v5 =	vld [tilespmem:s19+$0xFFFFFF60]  }
0x1d6: {  	v7 =	vld [tilespmem:s19+$0xFFFFFFA0];
	[tilespmem:s0+$0xFFFFFFD0] =	vst v1;
	v0 =	vmul.f32 $8.000000000e+00, v0  }
0x1d7: {  	[tilespmem:s0+$0x10] =	vst v4;
	v1 =	vld [tilespmem:s19+$0xFFFFFFE0];
	v3 =	vmul.f32 $8.000000000e+00, v3  }
0x1d8: {  	v4 =	vmul.f32 $8.000000000e+00, v6;
	v6 =	vld [tilespmem:s19+$0x20];
	[tilespmem:s0+$0x50] =	vst v0  }
0x1d9: {  	v0 =	vld [tilespmem:s19+$0x60];
	[tilespmem:s0+$0x90] =	vst v3;
	v2 =	vmul.f32 $8.000000000e+00, v2  }
0x1da: {  	[tilespmem:s0+$0xFFFFFF10] =	vst v4;
	v3 =	vmul.f32 $8.000000000e+00, v5;
	v4 =	vld [tilespmem:s19+$0xA0]  }
0x1db: {  	v5 =	vld [tilespmem:s19+$0xFFFFFF20];
	v7 =	vmul.f32 $8.000000000e+00, v7;
	[tilespmem:s0+$0xE0] =	vst v2  }
0x1dc: {  	[tilespmem:s0+$0xFFFFFF60] =	vst v3;
	v1 =	vmul.f32 $8.000000000e+00, v1;
	v3 =	vld [tilespmem:s19+$0xF0]  }
0x1dd: {  	[tilespmem:s0+$0xFFFFFFA0] =	vst v7;
	v2 =	vmul.f32 $8.000000000e+00, v6;
	v8 =	vld [tilespmem:s19+$0xFFFFFF70]  }
0x1de: {  	v7 =	vld [tilespmem:s19+$0xFFFFFFB0];
	[tilespmem:s0+$0xFFFFFFE0] =	vst v1;
	v1 =	vmul.f32 $8.000000000e+00, v0  }
0x1df: {  	[tilespmem:s0+$0x20] =	vst v2;
	v0 =	vld [tilespmem:s19+$0xFFFFFFF0];
	v4 =	vmul.f32 $8.000000000e+00, v4  }
0x1e0: {  	v5 =	vmul.f32 $8.000000000e+00, v5;
	v2 =	vld [tilespmem:s19+$0x30];
	[tilespmem:s0+$0x60] =	vst v1  }
0x1e1: {  	v1 =	vld [tilespmem:s19+$0x70];
	[tilespmem:s0+$0xA0] =	vst v4;
	v9 =	vmul.f32 $8.000000000e+00, v3  }
0x1e2: {  	[tilespmem:s0+$0xFFFFFF20] =	vst v5;
	v3 =	vld [tilespmem:s19+$0xB0];
	v6 =	vmul.f32 $8.000000000e+00, v8  }
0x1e3: {  	s17 =	simm.s32 $0x0;
	v4 =	vld [tilespmem:s19+$0xFFFFFF30];
	v5 =	vmul.f32 $8.000000000e+00, v7;
	s19 =	simm.s32 $0x9900;
	[tilespmem:s0+$0xF0] =	vst v9  }
.LBB2_14:
0x1e4: {  	v7 =	vld [tilespmem:s19+$0xC0];
	s17 =	sadd.s32 $0x8, s17;
	[tilespmem:s0+$0xFFFFFF70] =	vst v6;
	v0 =	vmul.f32 $8.000000000e+00, v0  }
0x1e5: {  	v6 =	vld [tilespmem:s19+$0xFFFFFF40];
	p0 =	slt.u32 s17, $0xC0;
	[tilespmem:s0+$0xFFFFFFB0] =	vst v5;
	v2 =	vmul.f32 $8.000000000e+00, v2  }
0x1e6: {  	v5 =	vld [tilespmem:s19+$0xFFFFFF80];
	[tilespmem:s0+$0xFFFFFFF0] =	vst v0;
	v0 =	vmul.f32 $8.000000000e+00, v1  }
0x1e7: {  	v1 =	vld [tilespmem:s19+$0xFFFFFFC0];
	[tilespmem:s0+$0x30] =	vst v2;
	v2 =	vmul.f32 $8.000000000e+00, v3  }
0x1e8: {  	v3 =	vld [tilespmem:s19+$0x0];
	v4 =	vmul.f32 $8.000000000e+00, v4;
	[tilespmem:s0+$0x70] =	vst v0  }
0x1e9: {  	v0 =	vld [tilespmem:s19+$0x40];
	v7 =	vmul.f32 $8.000000000e+00, v7;
	[tilespmem:s0+$0xB0] =	vst v2  }
0x1ea: {  	v2 =	vmul.f32 $8.000000000e+00, v6;
	v6 =	vld [tilespmem:s19+$0x80];
	[tilespmem:s0+$0xFFFFFF30] =	vst v4;
	s0 =	sadd.s32 $0x200, s0  }
0x1eb: {  	v4 =	vld [tilespmem:s19+$0xFFFFFF00];
	v5 =	vmul.f32 $8.000000000e+00, v5;
	[tilespmem:s0+$0xC0] =	vst v7  }
0x1ec: {  	[tilespmem:s0+$0xFFFFFF40] =	vst v2;
	v1 =	vmul.f32 $8.000000000e+00, v1;
	v2 =	vld [tilespmem:s19+$0xD0]  }
0x1ed: {  	v7 =	vld [tilespmem:s19+$0xFFFFFF50];
	[tilespmem:s0+$0xFFFFFF80] =	vst v5;
	v3 =	vmul.f32 $8.000000000e+00, v3  }
0x1ee: {  	v5 =	vld [tilespmem:s19+$0xFFFFFF90];
	[tilespmem:s0+$0xFFFFFFC0] =	vst v1;
	v0 =	vmul.f32 $8.000000000e+00, v0  }
0x1ef: {  	v1 =	vld [tilespmem:s19+$0xFFFFFFD0];
	[tilespmem:s0+$0x0] =	vst v3;
	v3 =	vmul.f32 $8.000000000e+00, v6  }
0x1f0: {  	v4 =	vmul.f32 $8.000000000e+00, v4;
	v6 =	vld [tilespmem:s19+$0x10];
	[tilespmem:s0+$0x40] =	vst v0  }
0x1f1: {  	v0 =	vld [tilespmem:s19+$0x50];
	[tilespmem:s0+$0x80] =	vst v3;
	v2 =	vmul.f32 $8.000000000e+00, v2  }
0x1f2: {  	[tilespmem:s0+$0xFFFFFF00] =	vst v4;
	v3 =	vmul.f32 $8.000000000e+00, v7;
	v4 =	vld [tilespmem:s19+$0x90]  }
0x1f3: {  	v7 =	vld [tilespmem:s19+$0xFFFFFF10];
	v5 =	vmul.f32 $8.000000000e+00, v5;
	[tilespmem:s0+$0xD0] =	vst v2  }
0x1f4: {  	[tilespmem:s0+$0xFFFFFF50] =	vst v3;
	v1 =	vmul.f32 $8.000000000e+00, v1;
	v2 =	vld [tilespmem:s19+$0xE0]  }
0x1f5: {  	v3 =	vld [tilespmem:s19+$0xFFFFFF60];
	[tilespmem:s0+$0xFFFFFF90] =	vst v5;
	v5 =	vmul.f32 $8.000000000e+00, v6  }
0x1f6: {  	v6 =	vld [tilespmem:s19+$0xFFFFFFA0];
	[tilespmem:s0+$0xFFFFFFD0] =	vst v1;
	v0 =	vmul.f32 $8.000000000e+00, v0  }
0x1f7: {  	v1 =	vld [tilespmem:s19+$0xFFFFFFE0];
	[tilespmem:s0+$0x10] =	vst v5;
	v4 =	vmul.f32 $8.000000000e+00, v4  }
0x1f8: {  	v5 =	vmul.f32 $8.000000000e+00, v7;
	v7 =	vld [tilespmem:s19+$0x20];
	[tilespmem:s0+$0x50] =	vst v0  }
0x1f9: {  	v0 =	vld [tilespmem:s19+$0x60];
	[tilespmem:s0+$0x90] =	vst v4;
	v2 =	vmul.f32 $8.000000000e+00, v2  }
0x1fa: {  	[tilespmem:s0+$0xFFFFFF10] =	vst v5;
	v3 =	vmul.f32 $8.000000000e+00, v3;
	v4 =	vld [tilespmem:s19+$0xA0]  }
0x1fb: {  	v5 =	vld [tilespmem:s19+$0xFFFFFF20];
	v6 =	vmul.f32 $8.000000000e+00, v6;
	[tilespmem:s0+$0xE0] =	vst v2  }
0x1fc: {  	[tilespmem:s0+$0xFFFFFF60] =	vst v3;
	v1 =	vmul.f32 $8.000000000e+00, v1;
	v3 =	vld [tilespmem:s19+$0xF0]  }
0x1fd: {  	v8 =	vld [tilespmem:s19+$0xFFFFFF70];
	[tilespmem:s0+$0xFFFFFFA0] =	vst v6;
	v2 =	vmul.f32 $8.000000000e+00, v7  }
0x1fe: {  	v7 =	vld [tilespmem:s19+$0xFFFFFFB0];
	[tilespmem:s0+$0xFFFFFFE0] =	vst v1;
	v1 =	vmul.f32 $8.000000000e+00, v0  }
.Ltmp6:
0x1ff: {  	v0 =	vld [tilespmem:s19+$0xFFFFFFF0];
	[tilespmem:s0+$0x20] =	vst v2;
	v4 =	vmul.f32 $8.000000000e+00, v4;
	(pc) =	sbr.rel @p0 .LBB2_14-.Ltmp6, $4  }
0x200: {  	v5 =	vmul.f32 $8.000000000e+00, v5;
	v2 =	vld [tilespmem:s19+$0x30];
	[tilespmem:s0+$0x60] =	vst v1  }
0x201: {  	v1 =	vld [tilespmem:s19+$0x70];
	[tilespmem:s0+$0xA0] =	vst v4;
	v9 =	vmul.f32 $8.000000000e+00, v3  }
0x202: {  	[tilespmem:s0+$0xFFFFFF20] =	vst v5;
	v6 =	vmul.f32 $8.000000000e+00, v8;
	v3 =	vld [tilespmem:s19+$0xB0]  }
0x203: {  	v4 =	vld [tilespmem:s19+$0xFFFFFF30];
	v5 =	vmul.f32 $8.000000000e+00, v7;
	[tilespmem:s0+$0xF0] =	vst v9;
	s19 =	sadd.s32 $0x200, s19  }
0x204: {  	[tilespmem:s0+$0xFFFFFF70] =	vst v6;
	v0 =	vmul.f32 $8.000000000e+00, v0  }
0x205: {  	[tilespmem:s0+$0xFFFFFFB0] =	vst v5;
	v2 =	vmul.f32 $8.000000000e+00, v2  }
0x206: {  	[tilespmem:s0+$0xFFFFFFF0] =	vst v0;
	v61 =	vmul.f32 $8.000000000e+00, v1  }
0x207: {  	[tilespmem:s0+$0x30] =	vst v2;
	v62 =	vmul.f32 $8.000000000e+00, v3  }
0x208: {  	v63 =	vmul.f32 $8.000000000e+00, v4;
	[tilespmem:s0+$0x70] =	vst v61  }
0x209: {  	[tilespmem:s0+$0xB0] =	vst v62  }
0x20a: {  	s1 =	sadd.s32 $0x1, s1;
	[tilespmem:s0+$0xFFFFFF30] =	vst v63  }
0x20b: {  	[hbm4b:s10+s3] =	stream.linear.scatter [tilespmem:s26], [sflag:$0x4], $0x3200, $0x38;
	[tilespmem:$0x12C00] =	vst v63  }
0x20c: {  	p0 =	sne.s32 s1, s11;
	_ =	swait.ge [sflag:s30], $0x3200  }
.Ltmp7:
0x20d: {  	[sflag:s30] =	ssyncset.done $0x0;
	(pc) =	sbr.rel @p0 .LBB2_1-.Ltmp7, $4  }
0x20e: {  	[sflag:s30] =	ssyncadd.s32 $0xFFFFCE00  }
0x20f: {  	_ =	swait.ge [sflag:s31], $0x3200  }
0x210: {  	[sflag:s31] =	ssyncset.done $0x0  }
0x211: {  	[sflag:s31] =	ssyncadd.s32 $0xFFFFCE00  }
0x212: {  	_ =	sfence.sel $0x180000  }
0x213: {  	[bflag:$0x0] =	sbarrier.arrive $0xFFFF  }
0x214: {  	_ =	strace $0x90000047  }
0x215: {  	s0 =	stileid.u32;
	[bflag:$0x2] =	sbarrier.arrive $0xFFFF  }
0x216: {  	p0 =	sne.s32 s0, $0x0;
	s0 =	rddreg [dreg:$0x2]  }
0x217: {  	s0 =	sadd.s32 @!p0 $0x100000, s0  }
0x218: {  	[sflag:s0] =	ssyncadd.tile.s32 @!p0 $0x1;
	_ =	shalt  }
.Lfunc_end2:
_tile_overlayer_lowered:
.L_overlay_start_2:
0x219: {  	(tag) =	ssettag $0x2  }
0x21a: {  	s0 =	rddreg [dreg:$0x0];
	s2 =	stileid.u32  }
0x21b: {  	s1 =	rddreg [dreg:$0x1];
	p0 =	sne.s32 s2, $0x0  }
0x21c: {  	s3 =	rddreg [dreg:$0x2];
	[bflag:$0x3] =	sbarrier.arrive $0xFFFF;
	s2 =	simm.s32 @!p0 $0x1C05  }
0x21d: {  	[timem:s3], [sflag:s2] =	dma.local @!p0 [hbm:s0], s1  }
0x21e: {  	s0 =	simm.s32 @!p0 $0x5  }
0x21f: {  	_ =	swait.ge @!p0 [sflag:s0], s1  }
0x220: {  	s1 =	ssub.s32 @!p0 $0x0, s1;
	[sflag:s0] =	ssyncset.done @!p0 $0x0  }
0x221: {  	[sflag:s0] =	ssyncadd.s32 @!p0 s1  }
0x222: {  	[bflag:$0x3] =	sbarrier.arrive $0xFFFF  }
0x223: {  	_ =	shalt  }

// kernel: sparse-core-data-format-call.cloned.1.call-start
scs
called_computation_lowered:
.L_overlay_start_0:
0x0: {  	s2 =	sld [smem:$0x3FD9]  }
0x1: {  	s3 =	sld [smem:$0x3FFE];
	_ =	sdelay $0x1  }
0x2: {  	s1 =	srdreg.scid  }
0x3: {  	s0 =	sand.u32 $0x1, s1  }
0x4: {  	s18 =	sshll.u32 s0, $0xA;
	s2 =	sadd.s32 s3, s2  }
0x5: {  	s2 =	sadd.s32 s2, s18  }
0x6: {  	[smem:$0x3FC6] =	sst s2  }
0x7: {  	_ = 	snop  }
0x8: {  	s2 =	sld [smem:$0x3FD0];
	(tm) =	ssettm $0x1  }
0x9: {  	s19 =	sld [smem:$0x3FFB];
	_ =	sdelay $0x3  }
0xa: {  	_ =	strace s19  }
0xb: {  	s3 =	sld [smem:$0x3FFC];
	_ =	sdelay $0x3  }
0xc: {  	_ =	strace s3  }
0xd: {  	s3 =	sld [smem:$0x3FFD];
	_ =	sdelay $0x3  }
0xe: {  	_ =	strace s3  }
0xf: {  	_ =	strace $0x8FFFFFFF  }
0x10: {  	s20 =	sld [smem:$0x3FDB];
	_ =	sdelay $0x1  }
0x11: {  	s4 =	simm.s32 $_scs_section_size  }
0x12: {  	s5 =	simm.s32 $_size__tile_overlayer_lowered;
	s6 =	simm.s32 $_tile_overlayer_lowered  }
0x13: {  	s23 =	simm.s32 $0x1BFF;
	s22 =	sshll.u32 s6, $0x1;
	s3 =	sadd.s32 s4, s20  }
0x14: {  	s7 =	simm.s32 $0x0;
	s21 =	sshll.u32 s5, $0x1;
	s5 =	sadd.s32 s22, s3  }
0x15: {  	[timem:s7], [sflag:s23] =	dma.local [hbm:s5], s21  }
0x16: {  	_ =	swait.ge [sflag:s23], s21  }
0x17: {  	s4 =	ssub.s32 $0x0, s21;
	[sflag:s23] =	ssyncset.done $0x0  }
0x18: {  	[sflag:s23] =	ssyncadd.s32 s4;
	_ =	sdelay $0x1  }
0x19: {  	s24 =	simm.s32 $0x1B8B  }
0x1a: {  	_ =	swait.ge [sflag:s24], $0x1  }
0x1b: {  	[sflag:s24] =	ssyncset.done $0x0  }
0x1c: {  	s26 =	simm.s32 $0x1B8E;
	s25 =	sld [smem:$0x3FFE];
	[sflag:s24] =	ssyncadd.s32 $0xFFFFFFFF  }
0x1d: {  	s27 =	simm.s32 $execute0_lowered;
	[smem:$0x3FD2] =	sst s26  }
0x1e: {  	s5 =	sshll.u32 s27, $0x1;
	_ =	strace $0x80000049;
	[dreg:$0x1] =	wrdreg $0xFFFFFFFF  }
0x1f: {  	s28 =	simm.s32 $_size_execute0_lowered;
	s3 =	sadd.s32 s3, s5;
	[dreg:$0x0] =	wrdreg $0x0  }
0x20: {  	s5 =	sshll.u32 s28, $0x1;
	[dreg:$0x2] =	wrdreg s3  }
0x21: {  	[dreg:$0x3] =	wrdreg s5  }
0x22: {  	[dreg:$0x4] =	wrdreg $0xC0  }
0x23: {  	_ =	task [dreg:s7], $0x5FFFF  }
0x24: {  	[dreg:$0x1] =	wrdreg $0xFFFFFFFF  }
0x25: {  	[dreg:$0x0] =	wrdreg $0x60  }
0x26: {  	[dreg:$0x2] =	wrdreg s25  }
0x27: {  	[dreg:$0x3] =	wrdreg s2  }
0x28: {  	[dreg:$0x4] =	wrdreg $0x9  }
0x29: {  	_ =	task.clear_ibuf [dreg:s7], $0x5FFFF;
	_ =	strace $0x90000049  }
0x2a: {  	s29 =	simm.s32 $0x9;
	_ =	strace $0x8000004B  }
0x2b: {  	_ =	swait.ge [sflag:s29], $0x1  }
0x2c: {  	[sflag:s29] =	ssyncadd.s32 $0xFFFFFFFF  }
0x2d: {  	_ =	strace $0x9000004B  }
0x2e: {  	_ =	sfence  }
0x2f: {  	s30 =	sld [smem:$0x0];
	_ =	sdelay $0x2  }
0x30: {  	s31 =	sshll.u32 s1, $0xD;
	s1 =	sshrl.u32 s1, $0x2  }
0x31: {  	s3 =	sand.u32 $0x4000, s31;
	s1 =	sadd.s32 s1, s30  }
0x32: {  	s0 =	sor.u32 s3, s0;
	s1 =	sshll.u32 s1, $0x11  }
0x33: {  	s0 =	sor.u32 s1, s0  }
0x34: {  	s0 =	sadd.s32 $0x8F2B, s0  }
0x35: {  	[sflag:s0] =	ssyncadd.remote.s32 $0x1  }
0x36: {  	_ =	sfence.sel $0xFFFF  }
0x37: {  	[dreg:$0x0] =	wrdreg $0xFFFFFFFF;
	(pc) =	sbr.abs _section_cstart, $3  }
0x38: {  	[dreg:$0x1] =	wrdreg $0xFFFFFFFF  }
0x39: {  	_ =	task.clear_ibuf [dreg:s7], $0x2FFFF;
	_ =	strace $0x9FFFFFFF  }
0x3a: {  	(tm) =	ssettm $0x7FFFFFFF  }
0x3b: {  	_ =	shalt  }
tec
execute0_lowered:
.L_overlay_start_1:
0x0: {  	(tag) =	ssettag $0x1  }
0x1: {  	s0 =	srdreg.scid  }
0x2: {  	s1 =	sshll.u32 s0, $0x4  }
0x3: {  	s0 =	stileid.u32;
	s1 =	sand.u32 $0x10, s1  }
0x4: {  	s1 =	sor.u32 s0, s1  }
0x5: {  	s6 =	rddreg [dreg:$0x0];
	s4 =	simm.s32 $0x1;
	s2 =	sshll.u32 s1, $0x7  }
0x6: {  	s7 =	simm.s32 $0x2;
	s12 =	simm.s32 $0x0;
	s1 =	ssub.s32 $0x1000, s2  }
0x7: {  	s8 =	simm.s32 $0x8000;
	s13 =	simm.s32 $0x0;
	s3 =	sand.u32 $0xF80, s1  }
0x8: {  	s9 =	simm.s32 $0x0;
	s5 =	sshrl.u32 s1, $0xC;
	p0 =	sne.s32 s3, $0x0  }
.Ltmp0:
0x9: {  	s1 =	rddreg [dreg:$0x2];
	s4 =	simm.s32 @!p0 $0x0;
	(pc) =	sbr.rel .LBB1_1-.Ltmp0, $4  }
0xa: {  	s11 =	simm.s32 $0x0;
	s3 =	rddreg [dreg:$0x1];
	s5 =	sadd.s32 s4, s5  }
0xb: {  	_ =	strace $0x8000004A;
	s4 =	simm.s32 $0x1;
	s5 =	smul.u32 $0xC8, s5  }
0xc: {  	s6 =	sadd.s32 $0xA00, s6;
	s10 =	smov.u32 s2;
	[sflag:s4] =	ssyncpa.u1 $0x0  }
0xd: {  	p0 =	por $0x0, $0x0;
	[sflag:s7] =	ssyncpa.u1 $0x0;
	s7 =	sor.u32 $0x1, s5  }
.LBB1_4:
0xe: {  	s16 =	sshll.u32 s13, $0x3;
	s17 =	sand.u32 $0x78, s13  }
0xf: {  	s30 =	sand.u32 $0x7E00, s13;
	s12 =	sshll.u32 s12, $0xF;
	s16 =	sand.u32 $0xC00, s16  }
0x10: {  	[tilespmem:s15+$0x810 ss:$0x81] =	vst.msk $0xffff, v2;
	s31 =	sand.u32 $0x7, s13;
	s16 =	sor.u32 s17, s16;
	s17 =	sadd.s32 s3, s30  }
0x11: {  	[tilespmem:s15+$0x1020 ss:$0x81] =	vst.msk $0xffff, v0;
	s13 =	sshll.u32 s31, $0x12;
	s12 =	sadd.s32 s12, s17;
	s16 =	sshrl.u32 s16, $0x3  }
0x12: {  	[tilespmem:s15+$0x0 ss:$0x81] =	vst.msk $0xffff, v1;
	s13 =	sor.u32 $0x400, s13;
	s12 =	sadd.s32 s16, s12  }
0x13: {  	[hbm4b:s12+s13] =	stream.strided.scatter [tilespmem:s14], [sflag:$0x2], $0x2000, s8, s13, $0x20;
	[tilespmem:$0x8080] =	vst v63  }
.LBB1_5:
0x14: {  	s14 =	sadd.s32 $0x1, s9  }
0x15: {  	s12 =	sadd.s32 $0x1000, s10;
	s16 =	smov.u32 s10;
	p2 =	sgt.s32 s14, $0xC7  }
0x16: {  	s16 =	smov.u32 @p2 s12  }
0x17: {  	s14 =	simm.s32 @p2 $0x0;
	p2 =	sgt.s32 s16, $0xFFF  }
0x18: {  	s16 =	smov.u32 @p2 s2;
	p2 =	sne.s32 s11, s7  }
.Ltmp1:
0x19: {  	p1 =	slt.u32 s11, $0x2;
	(pc) =	sbr.rel @!p2 .LBB1_6-.Ltmp1, $4  }
0x1a: {  	s15 =	simm.s32 @!p1 $0x2  }
0x1b: {  	s13 =	smov.u32 s10;
	p0 =	por !p0, !p0;
	_ =	swait.ge @!p1 [sflag:s15], $0x2000  }
0x1c: {  	s12 =	smov.u32 s9;
	[sflag:s15] =	ssyncset.done @!p1 $0x0;
	s9 =	smov.u32 s14  }
0x1d: {  	s11 =	sadd.s32 $0x1, s11;
	[sflag:s15] =	ssyncadd.s32 @!p1 $0xFFFFE000;
	s10 =	smov.u32 s16  }
.LBB1_1:
0x1e: {  	p1 =	sge.u32 s11, s5  }
0x1f: {  	s14 =	sand.u32 @!p1 $0x1FFFFFF, s9  }
0x20: {  	s15 =	smulhi.u32 @!p1 $0x147AE15, s14;
	_ =	sdelay $0x1  }
0x21: {  	s15 =	smul.u32 @!p1 $0xC8, s15  }
0x22: {  	s16 =	sxor.u32 @!p1 $0xFFFFFFFF, s11;
	s17 =	smul.u32 @!p1 $0xC80, s10  }
0x23: {  	s31 =	sadd.s32 $0xFFFFFFFF, s11;
	s16 =	sshll.u32 @!p1 s16, $0xD;
	s14 =	ssub.s32 @!p1 s14, s15  }
0x24: {  	s15 =	sand.u32 @!p1 $0x2000, s16;
	s16 =	sadd.s32 @!p1 s6, s17;
	s14 =	sshll.u32 @!p1 s14, $0x4  }
0x25: {  	s17 =	simm.s32 @!p1 $0x6400;
	s14 =	sadd.s32 @!p1 s14, s16;
	s16 =	simm.s32 @!p1 $0x40  }
0x26: {  	[tilespmem:s15], [sflag:$0x1] =	stream.strided.gather @!p1 [hbm4b:s14+s16], $0x2000, s17, s16, $0x38;
	[tilespmem:$0x8080] =	vst v63  }
0x27: {  	p1 =	sge.u32 s31, s5  }
.Ltmp2:
0x28: {  	_ = 	snop;
	(pc) =	sbr.rel @p1 .LBB1_5-.Ltmp2, $1  }
0x29: {  	_ =	sdelay $0x3  }
0x2a: {  	s14 =	simm.s32 $0x1  }
0x2b: {  	_ =	swait.ge [sflag:s4], $0x2000;
	s14 =	simm.s32 @!p0 $0x0  }
0x2c: {  	[sflag:s4] =	ssyncset.done $0x0;
	s15 =	sshll.u32 s14, $0xD  }
0x2d: {  	[sflag:s4] =	ssyncadd.s32 $0xFFFFE000;
	s18 =	sor.u32 $0x20, s15  }
0x2e: {  	s14 =	smul.u32 $0x8100, s14;
	v3 =	vld [tilespmem:s18+$0x10]  }
0x2f: {  	s30 =	sand.u32 $0x1, s11;
	v2 =	vld [tilespmem:s18+$0xFFFFFFF0]  }
0x30: {  	s15 =	smul.u32 $0x8100, s30;
	s14 =	sshrl.u32 s14, $0x2;
	v0 =	vld [tilespmem:s18+$0x0]  }
0x31: {  	v1 =	vld [tilespmem:s18+$0xFFFFFFE0];
	s16 =	sor.u32 $0x4000, s14  }
0x32: {  	s31 =	sshrl.u32 s15, $0x2;
	s15 =	sadd.s32 $0x0, s16  }
0x33: {  	s17 =	simm.s32 $0x4;
	s18 =	sadd.s32 $0x40, s18;
	s14 =	sor.u32 $0x4000, s31;
	[tilespmem:s15+$0x1830 ss:$0x81] =	vst.msk $0xffff, v3  }
.LBB1_3:
0x34: {  	v3 =	vld [tilespmem:s18+$0x10];
	p1 =	sne.s32 s17, $0x1FC;
	[tilespmem:s15+$0x810 ss:$0x81] =	vst.msk $0xffff, v2;
	s19 =	smov.u32 s17;
	s17 =	sadd.s32 $0x4, s17  }
.Ltmp3:
0x35: {  	v2 =	vld [tilespmem:s18+$0xFFFFFFF0];
	[tilespmem:s15+$0x1020 ss:$0x81] =	vst.msk $0xffff, v0;
	(pc) =	sbr.rel @p1 .LBB1_3-.Ltmp3, $4  }
0x36: {  	v0 =	vld [tilespmem:s18+$0x0];
	[tilespmem:s15+$0x0 ss:$0x81] =	vst.msk $0xffff, v1  }
0x37: {  	s15 =	sshra.s32 s19, $0x2;
	v1 =	vld [tilespmem:s18+$0xFFFFFFE0]  }
0x38: {  	s15 =	sadd.s32 s15, s16  }
0x39: {  	s18 =	sadd.s32 $0x40, s18;
	[tilespmem:s15+$0x1830 ss:$0x81] =	vst.msk $0xffff, v3  }
.Ltmp4:
0x3a: {  	_ = 	snop;
	(pc) =	sbr.rel .LBB1_4-.Ltmp4, $1  }
0x3b: {  	_ =	sdelay $0x3  }
.LBB1_6:
0x3c: {  	_ =	sfence.sel $0x180000  }
0x3d: {  	s2 =	simm.s32 $0x1;
	[bflag:$0x0] =	sbarrier.arrive $0xFFFF  }
0x3e: {  	s31 =	simm.s32 $0x2;
	[sflag:s2] =	ssyncpa.u1 $0x1  }
0x3f: {  	[sflag:s31] =	ssyncpa.u1 $0x1  }
0x40: {  	p0 =	sne.s32 s0, $0x0;
	_ =	strace $0x9000004A  }
0x41: {  	s0 =	sadd.s32 @!p0 $0x100000, s1;
	[bflag:$0x2] =	sbarrier.arrive $0xFFFF  }
0x42: {  	[sflag:s0] =	ssyncadd.tile.s32 @!p0 $0x1;
	_ =	shalt  }
.Lfunc_end1:
_tile_overlayer_lowered:
.L_overlay_start_2:
0x43: {  	(tag) =	ssettag $0x2  }
0x44: {  	s0 =	rddreg [dreg:$0x0];
	s2 =	stileid.u32  }
0x45: {  	s1 =	rddreg [dreg:$0x1];
	p0 =	sne.s32 s2, $0x0  }
0x46: {  	s3 =	rddreg [dreg:$0x2];
	[bflag:$0x3] =	sbarrier.arrive $0xFFFF;
	s2 =	simm.s32 @!p0 $0x1C01  }
0x47: {  	[timem:s3], [sflag:s2] =	dma.local @!p0 [hbm:s0], s1  }
0x48: {  	s0 =	simm.s32 @!p0 $0x1  }
0x49: {  	_ =	swait.ge @!p0 [sflag:s0], s1  }
0x4a: {  	s1 =	ssub.s32 @!p0 $0x0, s1;
	[sflag:s0] =	ssyncset.done @!p0 $0x0  }
0x4b: {  	[sflag:s0] =	ssyncadd.s32 @!p0 s1  }
0x4c: {  	[bflag:$0x3] =	sbarrier.arrive $0xFFFF  }
0x4d: {  	_ =	shalt  }

</sc_bundles>
